<compile_context>
chip_gen: v7x
topology: tpu7x:2x2x1
jax: 0.10.2.dev20260603
libtpu: 0.0.44.dev20260713+nightly
codegen_flags: <defaults>
</compile_context>

<pallas_src>
import jax
import jax.numpy as jnp
from jax import lax
from jax.experimental import pallas as pl
from jax.experimental.pallas import tpu as pltpu
from jax.experimental.pallas import tpu_sc as plsc

DEPTH = 1000
N_ROWS = 4096
N_COLS = 20
TOT = N_ROWS * N_COLS

NUM_CORES = 2
NUM_SUBCORES = 16
NW = NUM_CORES * NUM_SUBCORES
QPW = TOT // NW

FILL_ROWS = 128


def _fill_body(out_ref):
    out_ref[...] = jnp.zeros_like(out_ref)


def _zero_filled():
    return pl.pallas_call(
        _fill_body,
        grid=(N_ROWS // FILL_ROWS,),
        out_specs=pl.BlockSpec((FILL_ROWS, N_COLS, DEPTH), lambda i: (i, 0, 0)),
        out_shape=jax.ShapeDtypeStruct((N_ROWS, N_COLS, DEPTH), jnp.float32),
    )()


def _scatter_stateful(refs):
    idx_ref, pat_ref, out_ref = refs
    mesh = plsc.VectorSubcoreMesh(core_axis_name="c", subcore_axis_name="s")

    @pl.core_map(
        mesh,
        compiler_params=pltpu.CompilerParams(
            use_tc_tiling_on_sc=False, needs_layout_passes=False
        ),
        scratch_shapes=[
            pltpu.VMEM((QPW,), jnp.int32),
            pltpu.VMEM((8, 1, 1, 8), jnp.float32),
            pltpu.SemaphoreType.DMA,
        ],
    )
    def _(idx_v, pat_v, sem):
        c = lax.axis_index("c")
        s = lax.axis_index("s")
        wid = s * NUM_CORES + c
        base_q = wid * QPW
        pltpu.sync_copy(idx_ref.at[pl.ds(base_q, QPW)], idx_v)
        pltpu.sync_copy(pat_ref, pat_v)

        def one_body(j, carry):
            vec = idx_v[pl.ds(j * 16, 16)]
            for l in range(16):
                v = vec[l]
                q = base_q + j * 16 + l
                n = q // N_COLS
                m = lax.rem(q, N_COLS)
                d8 = (v // 8) * 8
                pltpu.make_async_copy(
                    pat_v.at[lax.rem(v, 8)],
                    out_ref.at[pl.ds(n, 1), pl.ds(m, 1), pl.ds(d8, 8)],
                    sem,
                ).start()
            return carry

        lax.fori_loop(0, QPW // 16, one_body, 0)

        def drain_body(j, carry):
            pltpu.make_async_copy(
                pat_v.at[0],
                out_ref.at[pl.ds(base_q // N_COLS, 1), pl.ds(0, 1), pl.ds(0, 8)],
                sem,
            ).wait()
            return carry

        lax.fori_loop(0, QPW, drain_body, 0)


def kernel(inputs):
    idx = inputs.astype(jnp.int32).reshape(TOT)
    patterns = jnp.eye(8, dtype=jnp.float32).reshape(8, 1, 1, 8)
    init = _zero_filled()
    _, _, out = pl.run_state(_scatter_stateful)((idx, patterns, init))
    return out

# --- scband reference (transcript-rebuilt; emitter-appended) ---
"""Pipeline reference for scband-one-hot-encoding-31688268710649 (READ-ONLY COPY).

The authoritative reference and input builder live on the scoring server;
editing this copy changes nothing except your own understanding.
"""

import jax, jax.numpy as jnp
import numpy as np

DEPTH = 1000

def setup_inputs(seed: int = 0) -> dict:
    key = jax.random.key(seed)
    inputs = jax.random.randint(key, (4096, 20), 0, DEPTH, dtype=jnp.int64)
    return {"inputs": inputs}

def reference(inputs) -> jnp.ndarray:
    # Faithful translation of tf.one_hot(inputs, depth, on_value=None, off_value=None,
    # axis=None -> new innermost axis, dtype=float32).
    # on_value defaults to 1, off_value defaults to 0.
    depth = DEPTH
    iota = jnp.arange(depth, dtype=inputs.dtype)
    # inputs[..., None] == iota  -> one-hot on new innermost axis
    onehot = (inputs[..., None] == iota).astype(jnp.float32)
    return onehot

if __name__ == "__main__":
    import jax
    _d = setup_inputs()
    print(jax.jit(kernel)(*tuple(_d.values())))

</pallas_src>

<mosaic_0001>
#map = affine_map<(d0, d1) -> (0)>
#map1 = affine_map<(d0, d1) -> (0, 0, 0, 0)>
#map2 = affine_map<(d0, d1) -> (0, 0, 0)>
module attributes {stable_mosaic.version = 14 : i64} {
  func.func @_(%arg0: i32, %arg1: i32, %arg2: memref<81920xi32, #tpu.memory_space<hbm>>, %arg3: memref<8x1x1x8xf32, #tpu.memory_space<hbm>>, %arg4: memref<4096x20x1000xf32, #tpu.memory_space<hbm>>, %arg5: memref<4096x20x1000xf32, #tpu.memory_space<hbm>>, %arg6: memref<2560xi32, #tpu.memory_space<vmem>>, %arg7: memref<8x1x1x8xf32, #tpu.memory_space<vmem>>, %arg8: memref<!tpu.dma_semaphore, #tpu.memory_space<semaphore_mem>>) attributes {dimension_semantics = [#tpu.dimension_semantics<core_parallel>, #tpu.dimension_semantics<subcore_parallel>], iteration_bounds = array<i64: 2, 16>, scalar_prefetch = 0 : i64, scratch_operands = 3 : i64, tpu.core_type = #tpu.core_type<sc_vector_subcore>, window_params = [{transform_indices = #map}, {transform_indices = #map1}, {transform_indices = #map2}, {transform_indices = #map2}]} {
    %mul3A = arith.constant 2 : i32
    %mul3A_0 = arith.muli %arg1, %mul3A : i32
    %add3A = arith.addi %mul3A_0, %arg0 : i32
    %mul3A_1 = arith.constant 2560 : i32
    %mul3A_2 = arith.muli %add3A, %mul3A_1 : i32
    "tpu.region"() ({
      %run_scoped3A = tpu.sem_alloc : memref<!tpu.dma_semaphore, #tpu.memory_space<semaphore_mem>>
      %dma_start3A = tpu.memref_slice %arg2[%mul3A_2] : memref<81920xi32, #tpu.memory_space<hbm>> -> memref<2560xi32, #tpu.memory_space<hbm>>
      %dma_start3A_14 = tpu.memref_slice %arg2[%mul3A_2] : memref<81920xi32, #tpu.memory_space<hbm>> -> memref<2560xi32, #tpu.memory_space<hbm>>
      tpu.enqueue_dma source(%dma_start3A_14 : memref<2560xi32, #tpu.memory_space<hbm>>) target(%arg6 : memref<2560xi32, #tpu.memory_space<vmem>>) target_semaphore(%run_scoped3A : memref<!tpu.dma_semaphore, #tpu.memory_space<semaphore_mem>>)
      %dma_wait3A = tpu.memref_slice %arg2[%mul3A_2] : memref<81920xi32, #tpu.memory_space<hbm>> -> memref<2560xi32, #tpu.memory_space<hbm>>
      %dma_wait3A_15 = tpu.memref_slice %arg2[%mul3A_2] : memref<81920xi32, #tpu.memory_space<hbm>> -> memref<2560xi32, #tpu.memory_space<hbm>>
      tpu.wait_dma2 semaphore(%run_scoped3A : memref<!tpu.dma_semaphore, #tpu.memory_space<semaphore_mem>>) src(%dma_wait3A_15 : memref<2560xi32, #tpu.memory_space<hbm>>) dst(%arg6 : memref<2560xi32, #tpu.memory_space<vmem>>)
      tpu.yield
    }) : () -> ()
    "tpu.region"() ({
      %run_scoped3A = tpu.sem_alloc : memref<!tpu.dma_semaphore, #tpu.memory_space<semaphore_mem>>
      tpu.enqueue_dma source(%arg3 : memref<8x1x1x8xf32, #tpu.memory_space<hbm>>) target(%arg7 : memref<8x1x1x8xf32, #tpu.memory_space<vmem>>) target_semaphore(%run_scoped3A : memref<!tpu.dma_semaphore, #tpu.memory_space<semaphore_mem>>)
      tpu.wait_dma2 semaphore(%run_scoped3A : memref<!tpu.dma_semaphore, #tpu.memory_space<semaphore_mem>>) src(%arg3 : memref<8x1x1x8xf32, #tpu.memory_space<hbm>>) dst(%arg7 : memref<8x1x1x8xf32, #tpu.memory_space<vmem>>)
      tpu.yield
    }) : () -> ()
    %scan3A = arith.constant 0 : i32
    %scan3A_3 = arith.constant 0 : i32
    %scan3A_4 = arith.constant 160 : i32
    %scan3A_5 = arith.addi %scan3A_3, %scan3A_4 : i32
    %scan3A_6 = arith.constant 1 : i32
    scf.for %scan3A_14 = %scan3A_3 to %scan3A_5 step %scan3A_6  : i32 {
      %mul3A_15 = arith.constant 16 : i32
      %mul3A_16 = arith.muli %scan3A_14, %mul3A_15 : i32
      %get3A = arith.index_cast %mul3A_16 : i32 to index
      %get3A_17 = tpu.vector_load %arg6[%get3A] {strides = array<i32>} : memref<2560xi32, #tpu.memory_space<vmem>>, vector<16xi32>,
      %slice3A = vector.extract_strided_slice %get3A_17 {offsets = [0], sizes = [1], strides = [1]} : vector<16xi32> to vector<1xi32>
      %squeeze3A = vector.extract %slice3A[0] : i32 from vector<1xi32>
      %mul3A_18 = arith.constant 16 : i32
      %mul3A_19 = arith.muli %scan3A_14, %mul3A_18 : i32
      %add3A_20 = arith.addi %mul3A_2, %mul3A_19 : i32
      %add3A_21 = arith.constant 0 : i32
      %add3A_22 = arith.addi %add3A_20, %add3A_21 : i32
      %jit3A = arith.constant 20 : i32
      %div3A = arith.divsi %add3A_22, %jit3A : i32
      %sign3A = arith.constant 0 : i32
      %sign3A_23 = arith.cmpi sgt, %add3A_22, %sign3A : i32
      %sign3A_24 = arith.extui %sign3A_23 : i1 to i32
      %sign3A_25 = arith.constant 0 : i32
      %sign3A_26 = arith.cmpi slt, %add3A_22, %sign3A_25 : i32
      %sign3A_27 = arith.extui %sign3A_26 : i1 to i32
      %sign3A_28 = arith.subi %sign3A_24, %sign3A_27 : i32
      %sign3A_29 = arith.constant 0 : i32
      %sign3A_30 = arith.cmpi sgt, %jit3A, %sign3A_29 : i32
      %sign3A_31 = arith.extui %sign3A_30 : i1 to i32
      %sign3A_32 = arith.constant 0 : i32
      %sign3A_33 = arith.cmpi slt, %jit3A, %sign3A_32 : i32
      %sign3A_34 = arith.extui %sign3A_33 : i1 to i32
      %sign3A_35 = arith.subi %sign3A_31, %sign3A_34 : i32
      %ne3A = arith.cmpi ne, %sign3A_28, %sign3A_35 : i32
      %rem3A = arith.remsi %add3A_22, %jit3A : i32
      %ne3A_36 = arith.constant 0 : i32
      %ne3A_37 = arith.cmpi ne, %rem3A, %ne3A_36 : i32
      %and3A = arith.andi %ne3A, %ne3A_37 : i1
      %sub3A = arith.constant 1 : i32
      %sub3A_38 = arith.subi %div3A, %sub3A : i32
      %select_n3A = arith.select %and3A, %sub3A_38, %div3A : i32
      %rem3A_39 = arith.constant 20 : i32
      %rem3A_40 = arith.remsi %add3A_22, %rem3A_39 : i32
      %jit3A_41 = arith.constant 8 : i32
      %div3A_42 = arith.divsi %squeeze3A, %jit3A_41 : i32
      %sign3A_43 = arith.constant 0 : i32
      %sign3A_44 = arith.cmpi sgt, %squeeze3A, %sign3A_43 : i32
      %sign3A_45 = arith.extui %sign3A_44 : i1 to i32
      %sign3A_46 = arith.constant 0 : i32
      %sign3A_47 = arith.cmpi slt, %squeeze3A, %sign3A_46 : i32
      %sign3A_48 = arith.extui %sign3A_47 : i1 to i32
      %sign3A_49 = arith.subi %sign3A_45, %sign3A_48 : i32
      %sign3A_50 = arith.constant 0 : i32
      %sign3A_51 = arith.cmpi sgt, %jit3A_41, %sign3A_50 : i32
      %sign3A_52 = arith.extui %sign3A_51 : i1 to i32
      %sign3A_53 = arith.constant 0 : i32
      %sign3A_54 = arith.cmpi slt, %jit3A_41, %sign3A_53 : i32
      %sign3A_55 = arith.extui %sign3A_54 : i1 to i32
      %sign3A_56 = arith.subi %sign3A_52, %sign3A_55 : i32
      %ne3A_57 = arith.cmpi ne, %sign3A_49, %sign3A_56 : i32
      %rem3A_58 = arith.remsi %squeeze3A, %jit3A_41 : i32
      %ne3A_59 = arith.constant 0 : i32
      %ne3A_60 = arith.cmpi ne, %rem3A_58, %ne3A_59 : i32
      %and3A_61 = arith.andi %ne3A_57, %ne3A_60 : i1
      %sub3A_62 = arith.constant 1 : i32
      %sub3A_63 = arith.subi %div3A_42, %sub3A_62 : i32
      %select_n3A_64 = arith.select %and3A_61, %sub3A_63, %div3A_42 : i32
      %mul3A_65 = arith.constant 8 : i32
      %mul3A_66 = arith.muli %select_n3A_64, %mul3A_65 : i32
      %rem3A_67 = arith.constant 8 : i32
      %rem3A_68 = arith.remsi %squeeze3A, %rem3A_67 : i32
      %dma_start3A = arith.constant 0 : i32
      %dma_start3A_69 = arith.constant 0 : i32
      %dma_start3A_70 = arith.constant 0 : i32
      %dma_start3A_71 = tpu.memref_slice %arg7[%rem3A_68, %dma_start3A, %dma_start3A_69, %dma_start3A_70] : memref<8x1x1x8xf32, #tpu.memory_space<vmem>> -> memref<1x1x1x8xf32, #tpu.memory_space<vmem>>
      %dma_start3A_72 = tpu.memref_squeeze %dma_start3A_71 : memref<1x1x1x8xf32, #tpu.memory_space<vmem>> -> memref<1x1x8xf32, #tpu.memory_space<vmem>>
      %dma_start3A_73 = tpu.memref_slice %arg4[%select_n3A, %rem3A_40, %mul3A_66] : memref<4096x20x1000xf32, #tpu.memory_space<hbm>> -> memref<1x1x8xf32, #tpu.memory_space<hbm>>
      %dma_start3A_74 = tpu.memref_slice %arg4[%select_n3A, %rem3A_40, %mul3A_66] : memref<4096x20x1000xf32, #tpu.memory_space<hbm>> -> memref<1x1x8xf32, #tpu.memory_space<hbm>>
      %dma_start3A_75 = arith.constant 0 : i32
      %dma_start3A_76 = arith.constant 0 : i32
      %dma_start3A_77 = arith.constant 0 : i32
      %dma_start3A_78 = tpu.memref_slice %arg7[%rem3A_68, %dma_start3A_75, %dma_start3A_76, %dma_start3A_77] : memref<8x1x1x8xf32, #tpu.memory_space<vmem>> -> memref<1x1x1x8xf32, #tpu.memory_space<vmem>>
      %dma_start3A_79 = tpu.memref_squeeze %dma_start3A_78 : memref<1x1x1x8xf32, #tpu.memory_space<vmem>> -> memref<1x1x8xf32, #tpu.memory_space<vmem>>
      tpu.enqueue_dma source(%dma_start3A_79 : memref<1x1x8xf32, #tpu.memory_space<vmem>>) target(%dma_start3A_74 : memref<1x1x8xf32, #tpu.memory_space<hbm>>) target_semaphore(%arg8 : memref<!tpu.dma_semaphore, #tpu.memory_space<semaphore_mem>>)
      %slice3A_80 = vector.extract_strided_slice %get3A_17 {offsets = [1], sizes = [1], strides = [1]} : vector<16xi32> to vector<1xi32>
      %squeeze3A_81 = vector.extract %slice3A_80[0] : i32 from vector<1xi32>
      %mul3A_82 = arith.constant 16 : i32
      %mul3A_83 = arith.muli %scan3A_14, %mul3A_82 : i32
      %add3A_84 = arith.addi %mul3A_2, %mul3A_83 : i32
      %add3A_85 = arith.constant 1 : i32
      %add3A_86 = arith.addi %add3A_84, %add3A_85 : i32
      %jit3A_87 = arith.constant 20 : i32
      %div3A_88 = arith.divsi %add3A_86, %jit3A_87 : i32
      %sign3A_89 = arith.constant 0 : i32
      %sign3A_90 = arith.cmpi sgt, %add3A_86, %sign3A_89 : i32
      %sign3A_91 = arith.extui %sign3A_90 : i1 to i32
      %sign3A_92 = arith.constant 0 : i32
      %sign3A_93 = arith.cmpi slt, %add3A_86, %sign3A_92 : i32
      %sign3A_94 = arith.extui %sign3A_93 : i1 to i32
      %sign3A_95 = arith.subi %sign3A_91, %sign3A_94 : i32
      %sign3A_96 = arith.constant 0 : i32
      %sign3A_97 = arith.cmpi sgt, %jit3A_87, %sign3A_96 : i32
      %sign3A_98 = arith.extui %sign3A_97 : i1 to i32
      %sign3A_99 = arith.constant 0 : i32
      %sign3A_100 = arith.cmpi slt, %jit3A_87, %sign3A_99 : i32
      %sign3A_101 = arith.extui %sign3A_100 : i1 to i32
      %sign3A_102 = arith.subi %sign3A_98, %sign3A_101 : i32
      %ne3A_103 = arith.cmpi ne, %sign3A_95, %sign3A_102 : i32
      %rem3A_104 = arith.remsi %add3A_86, %jit3A_87 : i32
      %ne3A_105 = arith.constant 0 : i32
      %ne3A_106 = arith.cmpi ne, %rem3A_104, %ne3A_105 : i32
      %and3A_107 = arith.andi %ne3A_103, %ne3A_106 : i1
      %sub3A_108 = arith.constant 1 : i32
      %sub3A_109 = arith.subi %div3A_88, %sub3A_108 : i32
      %select_n3A_110 = arith.select %and3A_107, %sub3A_109, %div3A_88 : i32
      %rem3A_111 = arith.constant 20 : i32
      %rem3A_112 = arith.remsi %add3A_86, %rem3A_111 : i32
      %jit3A_113 = arith.constant 8 : i32
      %div3A_114 = arith.divsi %squeeze3A_81, %jit3A_113 : i32
      %sign3A_115 = arith.constant 0 : i32
      %sign3A_116 = arith.cmpi sgt, %squeeze3A_81, %sign3A_115 : i32
      %sign3A_117 = arith.extui %sign3A_116 : i1 to i32
      %sign3A_118 = arith.constant 0 : i32
      %sign3A_119 = arith.cmpi slt, %squeeze3A_81, %sign3A_118 : i32
      %sign3A_120 = arith.extui %sign3A_119 : i1 to i32
      %sign3A_121 = arith.subi %sign3A_117, %sign3A_120 : i32
      %sign3A_122 = arith.constant 0 : i32
      %sign3A_123 = arith.cmpi sgt, %jit3A_113, %sign3A_122 : i32
      %sign3A_124 = arith.extui %sign3A_123 : i1 to i32
      %sign3A_125 = arith.constant 0 : i32
      %sign3A_126 = arith.cmpi slt, %jit3A_113, %sign3A_125 : i32
      %sign3A_127 = arith.extui %sign3A_126 : i1 to i32
      %sign3A_128 = arith.subi %sign3A_124, %sign3A_127 : i32
      %ne3A_129 = arith.cmpi ne, %sign3A_121, %sign3A_128 : i32
      %rem3A_130 = arith.remsi %squeeze3A_81, %jit3A_113 : i32
      %ne3A_131 = arith.constant 0 : i32
      %ne3A_132 = arith.cmpi ne, %rem3A_130, %ne3A_131 : i32
      %and3A_133 = arith.andi %ne3A_129, %ne3A_132 : i1
      %sub3A_134 = arith.constant 1 : i32
      %sub3A_135 = arith.subi %div3A_114, %sub3A_134 : i32
      %select_n3A_136 = arith.select %and3A_133, %sub3A_135, %div3A_114 : i32
      %mul3A_137 = arith.constant 8 : i32
      %mul3A_138 = arith.muli %select_n3A_136, %mul3A_137 : i32
      %rem3A_139 = arith.constant 8 : i32
      %rem3A_140 = arith.remsi %squeeze3A_81, %rem3A_139 : i32
      %dma_start3A_141 = arith.constant 0 : i32
      %dma_start3A_142 = arith.constant 0 : i32
      %dma_start3A_143 = arith.constant 0 : i32
      %dma_start3A_144 = tpu.memref_slice %arg7[%rem3A_140, %dma_start3A_141, %dma_start3A_142, %dma_start3A_143] : memref<8x1x1x8xf32, #tpu.memory_space<vmem>> -> memref<1x1x1x8xf32, #tpu.memory_space<vmem>>
      %dma_start3A_145 = tpu.memref_squeeze %dma_start3A_144 : memref<1x1x1x8xf32, #tpu.memory_space<vmem>> -> memref<1x1x8xf32, #tpu.memory_space<vmem>>
      %dma_start3A_146 = tpu.memref_slice %arg4[%select_n3A_110, %rem3A_112, %mul3A_138] : memref<4096x20x1000xf32, #tpu.memory_space<hbm>> -> memref<1x1x8xf32, #tpu.memory_space<hbm>>
      %dma_start3A_147 = tpu.memref_slice %arg4[%select_n3A_110, %rem3A_112, %mul3A_138] : memref<4096x20x1000xf32, #tpu.memory_space<hbm>> -> memref<1x1x8xf32, #tpu.memory_space<hbm>>
      %dma_start3A_148 = arith.constant 0 : i32
      %dma_start3A_149 = arith.constant 0 : i32
      %dma_start3A_150 = arith.constant 0 : i32
      %dma_start3A_151 = tpu.memref_slice %arg7[%rem3A_140, %dma_start3A_148, %dma_start3A_149, %dma_start3A_150] : memref<8x1x1x8xf32, #tpu.memory_space<vmem>> -> memref<1x1x1x8xf32, #tpu.memory_space<vmem>>
      %dma_start3A_152 = tpu.memref_squeeze %dma_start3A_151 : memref<1x1x1x8xf32, #tpu.memory_space<vmem>> -> memref<1x1x8xf32, #tpu.memory_space<vmem>>
      tpu.enqueue_dma source(%dma_start3A_152 : memref<1x1x8xf32, #tpu.memory_space<vmem>>) target(%dma_start3A_147 : memref<1x1x8xf32, #tpu.memory_space<hbm>>) target_semaphore(%arg8 : memref<!tpu.dma_semaphore, #tpu.memory_space<semaphore_mem>>)
      %slice3A_153 = vector.extract_strided_slice %get3A_17 {offsets = [2], sizes = [1], strides = [1]} : vector<16xi32> to vector<1xi32>
      %squeeze3A_154 = vector.extract %slice3A_153[0] : i32 from vector<1xi32>
      %mul3A_155 = arith.constant 16 : i32
      %mul3A_156 = arith.muli %scan3A_14, %mul3A_155 : i32
      %add3A_157 = arith.addi %mul3A_2, %mul3A_156 : i32
      %add3A_158 = arith.constant 2 : i32
      %add3A_159 = arith.addi %add3A_157, %add3A_158 : i32
      %jit3A_160 = arith.constant 20 : i32
      %div3A_161 = arith.divsi %add3A_159, %jit3A_160 : i32
      %sign3A_162 = arith.constant 0 : i32
      %sign3A_163 = arith.cmpi sgt, %add3A_159, %sign3A_162 : i32
      %sign3A_164 = arith.extui %sign3A_163 : i1 to i32
      %sign3A_165 = arith.constant 0 : i32
      %sign3A_166 = arith.cmpi slt, %add3A_159, %sign3A_165 : i32
      %sign3A_167 = arith.extui %sign3A_166 : i1 to i32
      %sign3A_168 = arith.subi %sign3A_164, %sign3A_167 : i32
      %sign3A_169 = arith.constant 0 : i32
      %sign3A_170 = arith.cmpi sgt, %jit3A_160, %sign3A_169 : i32
      %sign3A_171 = arith.extui %sign3A_170 : i1 to i32
      %sign3A_172 = arith.constant 0 : i32
      %sign3A_173 = arith.cmpi slt, %jit3A_160, %sign3A_172 : i32
      %sign3A_174 = arith.extui %sign3A_173 : i1 to i32
      %sign3A_175 = arith.subi %sign3A_171, %sign3A_174 : i32
      %ne3A_176 = arith.cmpi ne, %sign3A_168, %sign3A_175 : i32
      %rem3A_177 = arith.remsi %add3A_159, %jit3A_160 : i32
      %ne3A_178 = arith.constant 0 : i32
      %ne3A_179 = arith.cmpi ne, %rem3A_177, %ne3A_178 : i32
      %and3A_180 = arith.andi %ne3A_176, %ne3A_179 : i1
      %sub3A_181 = arith.constant 1 : i32
      %sub3A_182 = arith.subi %div3A_161, %sub3A_181 : i32
      %select_n3A_183 = arith.select %and3A_180, %sub3A_182, %div3A_161 : i32
      %rem3A_184 = arith.constant 20 : i32
      %rem3A_185 = arith.remsi %add3A_159, %rem3A_184 : i32
      %jit3A_186 = arith.constant 8 : i32
      %div3A_187 = arith.divsi %squeeze3A_154, %jit3A_186 : i32
      %sign3A_188 = arith.constant 0 : i32
      %sign3A_189 = arith.cmpi sgt, %squeeze3A_154, %sign3A_188 : i32
      %sign3A_190 = arith.extui %sign3A_189 : i1 to i32
      %sign3A_191 = arith.constant 0 : i32
      %sign3A_192 = arith.cmpi slt, %squeeze3A_154, %sign3A_191 : i32
      %sign3A_193 = arith.extui %sign3A_192 : i1 to i32
      %sign3A_194 = arith.subi %sign3A_190, %sign3A_193 : i32
      %sign3A_195 = arith.constant 0 : i32
      %sign3A_196 = arith.cmpi sgt, %jit3A_186, %sign3A_195 : i32
      %sign3A_197 = arith.extui %sign3A_196 : i1 to i32
      %sign3A_198 = arith.constant 0 : i32
      %sign3A_199 = arith.cmpi slt, %jit3A_186, %sign3A_198 : i32
      %sign3A_200 = arith.extui %sign3A_199 : i1 to i32
      %sign3A_201 = arith.subi %sign3A_197, %sign3A_200 : i32
      %ne3A_202 = arith.cmpi ne, %sign3A_194, %sign3A_201 : i32
      %rem3A_203 = arith.remsi %squeeze3A_154, %jit3A_186 : i32
      %ne3A_204 = arith.constant 0 : i32
      %ne3A_205 = arith.cmpi ne, %rem3A_203, %ne3A_204 : i32
      %and3A_206 = arith.andi %ne3A_202, %ne3A_205 : i1
      %sub3A_207 = arith.constant 1 : i32
      %sub3A_208 = arith.subi %div3A_187, %sub3A_207 : i32
      %select_n3A_209 = arith.select %and3A_206, %sub3A_208, %div3A_187 : i32
      %mul3A_210 = arith.constant 8 : i32
      %mul3A_211 = arith.muli %select_n3A_209, %mul3A_210 : i32
      %rem3A_212 = arith.constant 8 : i32
      %rem3A_213 = arith.remsi %squeeze3A_154, %rem3A_212 : i32
      %dma_start3A_214 = arith.constant 0 : i32
      %dma_start3A_215 = arith.constant 0 : i32
      %dma_start3A_216 = arith.constant 0 : i32
      %dma_start3A_217 = tpu.memref_slice %arg7[%rem3A_213, %dma_start3A_214, %dma_start3A_215, %dma_start3A_216] : memref<8x1x1x8xf32, #tpu.memory_space<vmem>> -> memref<1x1x1x8xf32, #tpu.memory_space<vmem>>
      %dma_start3A_218 = tpu.memref_squeeze %dma_start3A_217 : memref<1x1x1x8xf32, #tpu.memory_space<vmem>> -> memref<1x1x8xf32, #tpu.memory_space<vmem>>
      %dma_start3A_219 = tpu.memref_slice %arg4[%select_n3A_183, %rem3A_185, %mul3A_211] : memref<4096x20x1000xf32, #tpu.memory_space<hbm>> -> memref<1x1x8xf32, #tpu.memory_space<hbm>>
      %dma_start3A_220 = tpu.memref_slice %arg4[%select_n3A_183, %rem3A_185, %mul3A_211] : memref<4096x20x1000xf32, #tpu.memory_space<hbm>> -> memref<1x1x8xf32, #tpu.memory_space<hbm>>
      %dma_start3A_221 = arith.constant 0 : i32
      %dma_start3A_222 = arith.constant 0 : i32
      %dma_start3A_223 = arith.constant 0 : i32
      %dma_start3A_224 = tpu.memref_slice %arg7[%rem3A_213, %dma_start3A_221, %dma_start3A_222, %dma_start3A_223] : memref<8x1x1x8xf32, #tpu.memory_space<vmem>> -> memref<1x1x1x8xf32, #tpu.memory_space<vmem>>
      %dma_start3A_225 = tpu.memref_squeeze %dma_start3A_224 : memref<1x1x1x8xf32, #tpu.memory_space<vmem>> -> memref<1x1x8xf32, #tpu.memory_space<vmem>>
      tpu.enqueue_dma source(%dma_start3A_225 : memref<1x1x8xf32, #tpu.memory_space<vmem>>) target(%dma_start3A_220 : memref<1x1x8xf32, #tpu.memory_space<hbm>>) target_semaphore(%arg8 : memref<!tpu.dma_semaphore, #tpu.memory_space<semaphore_mem>>)
      %slice3A_226 = vector.extract_strided_slice %get3A_17 {offsets = [3], sizes = [1], strides = [1]} : vector<16xi32> to vector<1xi32>
      %squeeze3A_227 = vector.extract %slice3A_226[0] : i32 from vector<1xi32>
      %mul3A_228 = arith.constant 16 : i32
      %mul3A_229 = arith.muli %scan3A_14, %mul3A_228 : i32
      %add3A_230 = arith.addi %mul3A_2, %mul3A_229 : i32
      %add3A_231 = arith.constant 3 : i32
      %add3A_232 = arith.addi %add3A_230, %add3A_231 : i32
      %jit3A_233 = arith.constant 20 : i32
      %div3A_234 = arith.divsi %add3A_232, %jit3A_233 : i32
      %sign3A_235 = arith.constant 0 : i32
      %sign3A_236 = arith.cmpi sgt, %add3A_232, %sign3A_235 : i32
      %sign3A_237 = arith.extui %sign3A_236 : i1 to i32
      %sign3A_238 = arith.constant 0 : i32
      %sign3A_239 = arith.cmpi slt, %add3A_232, %sign3A_238 : i32
      %sign3A_240 = arith.extui %sign3A_239 : i1 to i32
      %sign3A_241 = arith.subi %sign3A_237, %sign3A_240 : i32
      %sign3A_242 = arith.constant 0 : i32
      %sign3A_243 = arith.cmpi sgt, %jit3A_233, %sign3A_242 : i32
      %sign3A_244 = arith.extui %sign3A_243 : i1 to i32
      %sign3A_245 = arith.constant 0 : i32
      %sign3A_246 = arith.cmpi slt, %jit3A_233, %sign3A_245 : i32
      %sign3A_247 = arith.extui %sign3A_246 : i1 to i32
      %sign3A_248 = arith.subi %sign3A_244, %sign3A_247 : i32
      %ne3A_249 = arith.cmpi ne, %sign3A_241, %sign3A_248 : i32
      %rem3A_250 = arith.remsi %add3A_232, %jit3A_233 : i32
      %ne3A_251 = arith.constant 0 : i32
      %ne3A_252 = arith.cmpi ne, %rem3A_250, %ne3A_251 : i32
      %and3A_253 = arith.andi %ne3A_249, %ne3A_252 : i1
      %sub3A_254 = arith.constant 1 : i32
      %sub3A_255 = arith.subi %div3A_234, %sub3A_254 : i32
      %select_n3A_256 = arith.select %and3A_253, %sub3A_255, %div3A_234 : i32
      %rem3A_257 = arith.constant 20 : i32
      %rem3A_258 = arith.remsi %add3A_232, %rem3A_257 : i32
      %jit3A_259 = arith.constant 8 : i32
      %div3A_260 = arith.divsi %squeeze3A_227, %jit3A_259 : i32
      %sign3A_261 = arith.constant 0 : i32
      %sign3A_262 = arith.cmpi sgt, %squeeze3A_227, %sign3A_261 : i32
      %sign3A_263 = arith.extui %sign3A_262 : i1 to i32
      %sign3A_264 = arith.constant 0 : i32
      %sign3A_265 = arith.cmpi slt, %squeeze3A_227, %sign3A_264 : i32
      %sign3A_266 = arith.extui %sign3A_265 : i1 to i32
      %sign3A_267 = arith.subi %sign3A_263, %sign3A_266 : i32
      %sign3A_268 = arith.constant 0 : i32
      %sign3A_269 = arith.cmpi sgt, %jit3A_259, %sign3A_268 : i32
      %sign3A_270 = arith.extui %sign3A_269 : i1 to i32
      %sign3A_271 = arith.constant 0 : i32
      %sign3A_272 = arith.cmpi slt, %jit3A_259, %sign3A_271 : i32
      %sign3A_273 = arith.extui %sign3A_272 : i1 to i32
      %sign3A_274 = arith.subi %sign3A_270, %sign3A_273 : i32
      %ne3A_275 = arith.cmpi ne, %sign3A_267, %sign3A_274 : i32
      %rem3A_276 = arith.remsi %squeeze3A_227, %jit3A_259 : i32
      %ne3A_277 = arith.constant 0 : i32
      %ne3A_278 = arith.cmpi ne, %rem3A_276, %ne3A_277 : i32
      %and3A_279 = arith.andi %ne3A_275, %ne3A_278 : i1
      %sub3A_280 = arith.constant 1 : i32
      %sub3A_281 = arith.subi %div3A_260, %sub3A_280 : i32
      %select_n3A_282 = arith.select %and3A_279, %sub3A_281, %div3A_260 : i32
      %mul3A_283 = arith.constant 8 : i32
      %mul3A_284 = arith.muli %select_n3A_282, %mul3A_283 : i32
      %rem3A_285 = arith.constant 8 : i32
      %rem3A_286 = arith.remsi %squeeze3A_227, %rem3A_285 : i32
      %dma_start3A_287 = arith.constant 0 : i32
      %dma_start3A_288 = arith.constant 0 : i32
      %dma_start3A_289 = arith.constant 0 : i32
      %dma_start3A_290 = tpu.memref_slice %arg7[%rem3A_286, %dma_start3A_287, %dma_start3A_288, %dma_start3A_289] : memref<8x1x1x8xf32, #tpu.memory_space<vmem>> -> memref<1x1x1x8xf32, #tpu.memory_space<vmem>>
      %dma_start3A_291 = tpu.memref_squeeze %dma_start3A_290 : memref<1x1x1x8xf32, #tpu.memory_space<vmem>> -> memref<1x1x8xf32, #tpu.memory_space<vmem>>
      %dma_start3A_292 = tpu.memref_slice %arg4[%select_n3A_256, %rem3A_258, %mul3A_284] : memref<4096x20x1000xf32, #tpu.memory_space<hbm>> -> memref<1x1x8xf32, #tpu.memory_space<hbm>>
      %dma_start3A_293 = tpu.memref_slice %arg4[%select_n3A_256, %rem3A_258, %mul3A_284] : memref<4096x20x1000xf32, #tpu.memory_space<hbm>> -> memref<1x1x8xf32, #tpu.memory_space<hbm>>
      %dma_start3A_294 = arith.constant 0 : i32
      %dma_start3A_295 = arith.constant 0 : i32
      %dma_start3A_296 = arith.constant 0 : i32
      %dma_start3A_297 = tpu.memref_slice %arg7[%rem3A_286, %dma_start3A_294, %dma_start3A_295, %dma_start3A_296] : memref<8x1x1x8xf32, #tpu.memory_space<vmem>> -> memref<1x1x1x8xf32, #tpu.memory_space<vmem>>
      %dma_start3A_298 = tpu.memref_squeeze %dma_start3A_297 : memref<1x1x1x8xf32, #tpu.memory_space<vmem>> -> memref<1x1x8xf32, #tpu.memory_space<vmem>>
      tpu.enqueue_dma source(%dma_start3A_298 : memref<1x1x8xf32, #tpu.memory_space<vmem>>) target(%dma_start3A_293 : memref<1x1x8xf32, #tpu.memory_space<hbm>>) target_semaphore(%arg8 : memref<!tpu.dma_semaphore, #tpu.memory_space<semaphore_mem>>)
      %slice3A_299 = vector.extract_strided_slice %get3A_17 {offsets = [4], sizes = [1], strides = [1]} : vector<16xi32> to vector<1xi32>
      %squeeze3A_300 = vector.extract %slice3A_299[0] : i32 from vector<1xi32>
      %mul3A_301 = arith.constant 16 : i32
      %mul3A_302 = arith.muli %scan3A_14, %mul3A_301 : i32
      %add3A_303 = arith.addi %mul3A_2, %mul3A_302 : i32
      %add3A_304 = arith.constant 4 : i32
      %add3A_305 = arith.addi %add3A_303, %add3A_304 : i32
      %jit3A_306 = arith.constant 20 : i32
      %div3A_307 = arith.divsi %add3A_305, %jit3A_306 : i32
      %sign3A_308 = arith.constant 0 : i32
      %sign3A_309 = arith.cmpi sgt, %add3A_305, %sign3A_308 : i32
      %sign3A_310 = arith.extui %sign3A_309 : i1 to i32
      %sign3A_311 = arith.constant 0 : i32
      %sign3A_312 = arith.cmpi slt, %add3A_305, %sign3A_311 : i32
      %sign3A_313 = arith.extui %sign3A_312 : i1 to i32
      %sign3A_314 = arith.subi %sign3A_310, %sign3A_313 : i32
      %sign3A_315 = arith.constant 0 : i32
      %sign3A_316 = arith.cmpi sgt, %jit3A_306, %sign3A_315 : i32
      %sign3A_317 = arith.extui %sign3A_316 : i1 to i32
      %sign3A_318 = arith.constant 0 : i32
      %sign3A_319 = arith.cmpi slt, %jit3A_306, %sign3A_318 : i32
      %sign3A_320 = arith.extui %sign3A_319 : i1 to i32
      %sign3A_321 = arith.subi %sign3A_317, %sign3A_320 : i32
      %ne3A_322 = arith.cmpi ne, %sign3A_314, %sign3A_321 : i32
      %rem3A_323 = arith.remsi %add3A_305, %jit3A_306 : i32
      %ne3A_324 = arith.constant 0 : i32
      %ne3A_325 = arith.cmpi ne, %rem3A_323, %ne3A_324 : i32
      %and3A_326 = arith.andi %ne3A_322, %ne3A_325 : i1
      %sub3A_327 = arith.constant 1 : i32
      %sub3A_328 = arith.subi %div3A_307, %sub3A_327 : i32
      %select_n3A_329 = arith.select %and3A_326, %sub3A_328, %div3A_307 : i32
      %rem3A_330 = arith.constant 20 : i32
      %rem3A_331 = arith.remsi %add3A_305, %rem3A_330 : i32
      %jit3A_332 = arith.constant 8 : i32
      %div3A_333 = arith.divsi %squeeze3A_300, %jit3A_332 : i32
      %sign3A_334 = arith.constant 0 : i32
      %sign3A_335 = arith.cmpi sgt, %squeeze3A_300, %sign3A_334 : i32
      %sign3A_336 = arith.extui %sign3A_335 : i1 to i32
      %sign3A_337 = arith.constant 0 : i32
      %sign3A_338 = arith.cmpi slt, %squeeze3A_300, %sign3A_337 : i32
      %sign3A_339 = arith.extui %sign3A_338 : i1 to i32
      %sign3A_340 = arith.subi %sign3A_336, %sign3A_339 : i32
      %sign3A_341 = arith.constant 0 : i32
      %sign3A_342 = arith.cmpi sgt, %jit3A_332, %sign3A_341 : i32
      %sign3A_343 = arith.extui %sign3A_342 : i1 to i32
      %sign3A_344 = arith.constant 0 : i32
      %sign3A_345 = arith.cmpi slt, %jit3A_332, %sign3A_344 : i32
      %sign3A_346 = arith.extui %sign3A_345 : i1 to i32
      %sign3A_347 = arith.subi %sign3A_343, %sign3A_346 : i32
      %ne3A_348 = arith.cmpi ne, %sign3A_340, %sign3A_347 : i32
      %rem3A_349 = arith.remsi %squeeze3A_300, %jit3A_332 : i32
      %ne3A_350 = arith.constant 0 : i32
      %ne3A_351 = arith.cmpi ne, %rem3A_349, %ne3A_350 : i32
      %and3A_352 = arith.andi %ne3A_348, %ne3A_351 : i1
      %sub3A_353 = arith.constant 1 : i32
      %sub3A_354 = arith.subi %div3A_333, %sub3A_353 : i32
      %select_n3A_355 = arith.select %and3A_352, %sub3A_354, %div3A_333 : i32
      %mul3A_356 = arith.constant 8 : i32
      %mul3A_357 = arith.muli %select_n3A_355, %mul3A_356 : i32
      %rem3A_358 = arith.constant 8 : i32
      %rem3A_359 = arith.remsi %squeeze3A_300, %rem3A_358 : i32
      %dma_start3A_360 = arith.constant 0 : i32
      %dma_start3A_361 = arith.constant 0 : i32
      %dma_start3A_362 = arith.constant 0 : i32
      %dma_start3A_363 = tpu.memref_slice %arg7[%rem3A_359, %dma_start3A_360, %dma_start3A_361, %dma_start3A_362] : memref<8x1x1x8xf32, #tpu.memory_space<vmem>> -> memref<1x1x1x8xf32, #tpu.memory_space<vmem>>
      %dma_start3A_364 = tpu.memref_squeeze %dma_start3A_363 : memref<1x1x1x8xf32, #tpu.memory_space<vmem>> -> memref<1x1x8xf32, #tpu.memory_space<vmem>>
      %dma_start3A_365 = tpu.memref_slice %arg4[%select_n3A_329, %rem3A_331, %mul3A_357] : memref<4096x20x1000xf32, #tpu.memory_space<hbm>> -> memref<1x1x8xf32, #tpu.memory_space<hbm>>
      %dma_start3A_366 = tpu.memref_slice %arg4[%select_n3A_329, %rem3A_331, %mul3A_357] : memref<4096x20x1000xf32, #tpu.memory_space<hbm>> -> memref<1x1x8xf32, #tpu.memory_space<hbm>>
      %dma_start3A_367 = arith.constant 0 : i32
      %dma_start3A_368 = arith.constant 0 : i32
      %dma_start3A_369 = arith.constant 0 : i32
      %dma_start3A_370 = tpu.memref_slice %arg7[%rem3A_359, %dma_start3A_367, %dma_start3A_368, %dma_start3A_369] : memref<8x1x1x8xf32, #tpu.memory_space<vmem>> -> memref<1x1x1x8xf32, #tpu.memory_space<vmem>>
      %dma_start3A_371 = tpu.memref_squeeze %dma_start3A_370 : memref<1x1x1x8xf32, #tpu.memory_space<vmem>> -> memref<1x1x8xf32, #tpu.memory_space<vmem>>
      tpu.enqueue_dma source(%dma_start3A_371 : memref<1x1x8xf32, #tpu.memory_space<vmem>>) target(%dma_start3A_366 : memref<1x1x8xf32, #tpu.memory_space<hbm>>) target_semaphore(%arg8 : memref<!tpu.dma_semaphore, #tpu.memory_space<semaphore_mem>>)
      %slice3A_372 = vector.extract_strided_slice %get3A_17 {offsets = [5], sizes = [1], strides = [1]} : vector<16xi32> to vector<1xi32>
      %squeeze3A_373 = vector.extract %slice3A_372[0] : i32 from vector<1xi32>
      %mul3A_374 = arith.constant 16 : i32
      %mul3A_375 = arith.muli %scan3A_14, %mul3A_374 : i32
      %add3A_376 = arith.addi %mul3A_2, %mul3A_375 : i32
      %add3A_377 = arith.constant 5 : i32
      %add3A_378 = arith.addi %add3A_376, %add3A_377 : i32
      %jit3A_379 = arith.constant 20 : i32
      %div3A_380 = arith.divsi %add3A_378, %jit3A_379 : i32
      %sign3A_381 = arith.constant 0 : i32
      %sign3A_382 = arith.cmpi sgt, %add3A_378, %sign3A_381 : i32
      %sign3A_383 = arith.extui %sign3A_382 : i1 to i32
      %sign3A_384 = arith.constant 0 : i32
      %sign3A_385 = arith.cmpi slt, %add3A_378, %sign3A_384 : i32
      %sign3A_386 = arith.extui %sign3A_385 : i1 to i32
      %sign3A_387 = arith.subi %sign3A_383, %sign3A_386 : i32
      %sign3A_388 = arith.constant 0 : i32
      %sign3A_389 = arith.cmpi sgt, %jit3A_379, %sign3A_388 : i32
      %sign3A_390 = arith.extui %sign3A_389 : i1 to i32
      %sign3A_391 = arith.constant 0 : i32
      %sign3A_392 = arith.cmpi slt, %jit3A_379, %sign3A_391 : i32
      %sign3A_393 = arith.extui %sign3A_392 : i1 to i32
      %sign3A_394 = arith.subi %sign3A_390, %sign3A_393 : i32
      %ne3A_395 = arith.cmpi ne, %sign3A_387, %sign3A_394 : i32
      %rem3A_396 = arith.remsi %add3A_378, %jit3A_379 : i32
      %ne3A_397 = arith.constant 0 : i32
      %ne3A_398 = arith.cmpi ne, %rem3A_396, %ne3A_397 : i32
      %and3A_399 = arith.andi %ne3A_395, %ne3A_398 : i1
      %sub3A_400 = arith.constant 1 : i32
      %sub3A_401 = arith.subi %div3A_380, %sub3A_400 : i32
      %select_n3A_402 = arith.select %and3A_399, %sub3A_401, %div3A_380 : i32
      %rem3A_403 = arith.constant 20 : i32
      %rem3A_404 = arith.remsi %add3A_378, %rem3A_403 : i32
      %jit3A_405 = arith.constant 8 : i32
      %div3A_406 = arith.divsi %squeeze3A_373, %jit3A_405 : i32
      %sign3A_407 = arith.constant 0 : i32
      %sign3A_408 = arith.cmpi sgt, %squeeze3A_373, %sign3A_407 : i32
      %sign3A_409 = arith.extui %sign3A_408 : i1 to i32
      %sign3A_410 = arith.constant 0 : i32
      %sign3A_411 = arith.cmpi slt, %squeeze3A_373, %sign3A_410 : i32
      %sign3A_412 = arith.extui %sign3A_411 : i1 to i32
      %sign3A_413 = arith.subi %sign3A_409, %sign3A_412 : i32
      %sign3A_414 = arith.constant 0 : i32
      %sign3A_415 = arith.cmpi sgt, %jit3A_405, %sign3A_414 : i32
      %sign3A_416 = arith.extui %sign3A_415 : i1 to i32
      %sign3A_417 = arith.constant 0 : i32
      %sign3A_418 = arith.cmpi slt, %jit3A_405, %sign3A_417 : i32
      %sign3A_419 = arith.extui %sign3A_418 : i1 to i32
      %sign3A_420 = arith.subi %sign3A_416, %sign3A_419 : i32
      %ne3A_421 = arith.cmpi ne, %sign3A_413, %sign3A_420 : i32
      %rem3A_422 = arith.remsi %squeeze3A_373, %jit3A_405 : i32
      %ne3A_423 = arith.constant 0 : i32
      %ne3A_424 = arith.cmpi ne, %rem3A_422, %ne3A_423 : i32
      %and3A_425 = arith.andi %ne3A_421, %ne3A_424 : i1
      %sub3A_426 = arith.constant 1 : i32
      %sub3A_427 = arith.subi %div3A_406, %sub3A_426 : i32
      %select_n3A_428 = arith.select %and3A_425, %sub3A_427, %div3A_406 : i32
      %mul3A_429 = arith.constant 8 : i32
      %mul3A_430 = arith.muli %select_n3A_428, %mul3A_429 : i32
      %rem3A_431 = arith.constant 8 : i32
      %rem3A_432 = arith.remsi %squeeze3A_373, %rem3A_431 : i32
      %dma_start3A_433 = arith.constant 0 : i32
      %dma_start3A_434 = arith.constant 0 : i32
      %dma_start3A_435 = arith.constant 0 : i32
      %dma_start3A_436 = tpu.memref_slice %arg7[%rem3A_432, %dma_start3A_433, %dma_start3A_434, %dma_start3A_435] : memref<8x1x1x8xf32, #tpu.memory_space<vmem>> -> memref<1x1x1x8xf32, #tpu.memory_space<vmem>>
      %dma_start3A_437 = tpu.memref_squeeze %dma_start3A_436 : memref<1x1x1x8xf32, #tpu.memory_space<vmem>> -> memref<1x1x8xf32, #tpu.memory_space<vmem>>
      %dma_start3A_438 = tpu.memref_slice %arg4[%select_n3A_402, %rem3A_404, %mul3A_430] : memref<4096x20x1000xf32, #tpu.memory_space<hbm>> -> memref<1x1x8xf32, #tpu.memory_space<hbm>>
      %dma_start3A_439 = tpu.memref_slice %arg4[%select_n3A_402, %rem3A_404, %mul3A_430] : memref<4096x20x1000xf32, #tpu.memory_space<hbm>> -> memref<1x1x8xf32, #tpu.memory_space<hbm>>
      %dma_start3A_440 = arith.constant 0 : i32
      %dma_start3A_441 = arith.constant 0 : i32
      %dma_start3A_442 = arith.constant 0 : i32
      %dma_start3A_443 = tpu.memref_slice %arg7[%rem3A_432, %dma_start3A_440, %dma_start3A_441, %dma_start3A_442] : memref<8x1x1x8xf32, #tpu.memory_space<vmem>> -> memref<1x1x1x8xf32, #tpu.memory_space<vmem>>
      %dma_start3A_444 = tpu.memref_squeeze %dma_start3A_443 : memref<1x1x1x8xf32, #tpu.memory_space<vmem>> -> memref<1x1x8xf32, #tpu.memory_space<vmem>>
      tpu.enqueue_dma source(%dma_start3A_444 : memref<1x1x8xf32, #tpu.memory_space<vmem>>) target(%dma_start3A_439 : memref<1x1x8xf32, #tpu.memory_space<hbm>>) target_semaphore(%arg8 : memref<!tpu.dma_semaphore, #tpu.memory_space<semaphore_mem>>)
      %slice3A_445 = vector.extract_strided_slice %get3A_17 {offsets = [6], sizes = [1], strides = [1]} : vector<16xi32> to vector<1xi32>
      %squeeze3A_446 = vector.extract %slice3A_445[0] : i32 from vector<1xi32>
      %mul3A_447 = arith.constant 16 : i32
      %mul3A_448 = arith.muli %scan3A_14, %mul3A_447 : i32
      %add3A_449 = arith.addi %mul3A_2, %mul3A_448 : i32
      %add3A_450 = arith.constant 6 : i32
      %add3A_451 = arith.addi %add3A_449, %add3A_450 : i32
      %jit3A_452 = arith.constant 20 : i32
      %div3A_453 = arith.divsi %add3A_451, %jit3A_452 : i32
      %sign3A_454 = arith.constant 0 : i32
      %sign3A_455 = arith.cmpi sgt, %add3A_451, %sign3A_454 : i32
      %sign3A_456 = arith.extui %sign3A_455 : i1 to i32
      %sign3A_457 = arith.constant 0 : i32
      %sign3A_458 = arith.cmpi slt, %add3A_451, %sign3A_457 : i32
      %sign3A_459 = arith.extui %sign3A_458 : i1 to i32
      %sign3A_460 = arith.subi %sign3A_456, %sign3A_459 : i32
      %sign3A_461 = arith.constant 0 : i32
      %sign3A_462 = arith.cmpi sgt, %jit3A_452, %sign3A_461 : i32
      %sign3A_463 = arith.extui %sign3A_462 : i1 to i32
      %sign3A_464 = arith.constant 0 : i32
      %sign3A_465 = arith.cmpi slt, %jit3A_452, %sign3A_464 : i32
      %sign3A_466 = arith.extui %sign3A_465 : i1 to i32
      %sign3A_467 = arith.subi %sign3A_463, %sign3A_466 : i32
      %ne3A_468 = arith.cmpi ne, %sign3A_460, %sign3A_467 : i32
      %rem3A_469 = arith.remsi %add3A_451, %jit3A_452 : i32
      %ne3A_470 = arith.constant 0 : i32
      %ne3A_471 = arith.cmpi ne, %rem3A_469, %ne3A_470 : i32
      %and3A_472 = arith.andi %ne3A_468, %ne3A_471 : i1
      %sub3A_473 = arith.constant 1 : i32
      %sub3A_474 = arith.subi %div3A_453, %sub3A_473 : i32
      %select_n3A_475 = arith.select %and3A_472, %sub3A_474, %div3A_453 : i32
      %rem3A_476 = arith.constant 20 : i32
      %rem3A_477 = arith.remsi %add3A_451, %rem3A_476 : i32
      %jit3A_478 = arith.constant 8 : i32
      %div3A_479 = arith.divsi %squeeze3A_446, %jit3A_478 : i32
      %sign3A_480 = arith.constant 0 : i32
      %sign3A_481 = arith.cmpi sgt, %squeeze3A_446, %sign3A_480 : i32
      %sign3A_482 = arith.extui %sign3A_481 : i1 to i32
      %sign3A_483 = arith.constant 0 : i32
      %sign3A_484 = arith.cmpi slt, %squeeze3A_446, %sign3A_483 : i32
      %sign3A_485 = arith.extui %sign3A_484 : i1 to i32
      %sign3A_486 = arith.subi %sign3A_482, %sign3A_485 : i32
      %sign3A_487 = arith.constant 0 : i32
      %sign3A_488 = arith.cmpi sgt, %jit3A_478, %sign3A_487 : i32
      %sign3A_489 = arith.extui %sign3A_488 : i1 to i32
      %sign3A_490 = arith.constant 0 : i32
      %sign3A_491 = arith.cmpi slt, %jit3A_478, %sign3A_490 : i32
      %sign3A_492 = arith.extui %sign3A_491 : i1 to i32
      %sign3A_493 = arith.subi %sign3A_489, %sign3A_492 : i32
      %ne3A_494 = arith.cmpi ne, %sign3A_486, %sign3A_493 : i32
      %rem3A_495 = arith.remsi %squeeze3A_446, %jit3A_478 : i32
      %ne3A_496 = arith.constant 0 : i32
      %ne3A_497 = arith.cmpi ne, %rem3A_495, %ne3A_496 : i32
      %and3A_498 = arith.andi %ne3A_494, %ne3A_497 : i1
      %sub3A_499 = arith.constant 1 : i32
      %sub3A_500 = arith.subi %div3A_479, %sub3A_499 : i32
      %select_n3A_501 = arith.select %and3A_498, %sub3A_500, %div3A_479 : i32
      %mul3A_502 = arith.constant 8 : i32
      %mul3A_503 = arith.muli %select_n3A_501, %mul3A_502 : i32
      %rem3A_504 = arith.constant 8 : i32
      %rem3A_505 = arith.remsi %squeeze3A_446, %rem3A_504 : i32
      %dma_start3A_506 = arith.constant 0 : i32
      %dma_start3A_507 = arith.constant 0 : i32
      %dma_start3A_508 = arith.constant 0 : i32
      %dma_start3A_509 = tpu.memref_slice %arg7[%rem3A_505, %dma_start3A_506, %dma_start3A_507, %dma_start3A_508] : memref<8x1x1x8xf32, #tpu.memory_space<vmem>> -> memref<1x1x1x8xf32, #tpu.memory_space<vmem>>
      %dma_start3A_510 = tpu.memref_squeeze %dma_start3A_509 : memref<1x1x1x8xf32, #tpu.memory_space<vmem>> -> memref<1x1x8xf32, #tpu.memory_space<vmem>>
      %dma_start3A_511 = tpu.memref_slice %arg4[%select_n3A_475, %rem3A_477, %mul3A_503] : memref<4096x20x1000xf32, #tpu.memory_space<hbm>> -> memref<1x1x8xf32, #tpu.memory_space<hbm>>
      %dma_start3A_512 = tpu.memref_slice %arg4[%select_n3A_475, %rem3A_477, %mul3A_503] : memref<4096x20x1000xf32, #tpu.memory_space<hbm>> -> memref<1x1x8xf32, #tpu.memory_space<hbm>>
      %dma_start3A_513 = arith.constant 0 : i32
      %dma_start3A_514 = arith.constant 0 : i32
      %dma_start3A_515 = arith.constant 0 : i32
      %dma_start3A_516 = tpu.memref_slice %arg7[%rem3A_505, %dma_start3A_513, %dma_start3A_514, %dma_start3A_515] : memref<8x1x1x8xf32, #tpu.memory_space<vmem>> -> memref<1x1x1x8xf32, #tpu.memory_space<vmem>>
      %dma_start3A_517 = tpu.memref_squeeze %dma_start3A_516 : memref<1x1x1x8xf32, #tpu.memory_space<vmem>> -> memref<1x1x8xf32, #tpu.memory_space<vmem>>
      tpu.enqueue_dma source(%dma_start3A_517 : memref<1x1x8xf32, #tpu.memory_space<vmem>>) target(%dma_start3A_512 : memref<1x1x8xf32, #tpu.memory_space<hbm>>) target_semaphore(%arg8 : memref<!tpu.dma_semaphore, #tpu.memory_space<semaphore_mem>>)
      %slice3A_518 = vector.extract_strided_slice %get3A_17 {offsets = [7], sizes = [1], strides = [1]} : vector<16xi32> to vector<1xi32>
      %squeeze3A_519 = vector.extract %slice3A_518[0] : i32 from vector<1xi32>
      %mul3A_520 = arith.constant 16 : i32
      %mul3A_521 = arith.muli %scan3A_14, %mul3A_520 : i32
      %add3A_522 = arith.addi %mul3A_2, %mul3A_521 : i32
      %add3A_523 = arith.constant 7 : i32
      %add3A_524 = arith.addi %add3A_522, %add3A_523 : i32
      %jit3A_525 = arith.constant 20 : i32
      %div3A_526 = arith.divsi %add3A_524, %jit3A_525 : i32
      %sign3A_527 = arith.constant 0 : i32
      %sign3A_528 = arith.cmpi sgt, %add3A_524, %sign3A_527 : i32
      %sign3A_529 = arith.extui %sign3A_528 : i1 to i32
      %sign3A_530 = arith.constant 0 : i32
      %sign3A_531 = arith.cmpi slt, %add3A_524, %sign3A_530 : i32
      %sign3A_532 = arith.extui %sign3A_531 : i1 to i32
      %sign3A_533 = arith.subi %sign3A_529, %sign3A_532 : i32
      %sign3A_534 = arith.constant 0 : i32
      %sign3A_535 = arith.cmpi sgt, %jit3A_525, %sign3A_534 : i32
      %sign3A_536 = arith.extui %sign3A_535 : i1 to i32
      %sign3A_537 = arith.constant 0 : i32
      %sign3A_538 = arith.cmpi slt, %jit3A_525, %sign3A_537 : i32
      %sign3A_539 = arith.extui %sign3A_538 : i1 to i32
      %sign3A_540 = arith.subi %sign3A_536, %sign3A_539 : i32
      %ne3A_541 = arith.cmpi ne, %sign3A_533, %sign3A_540 : i32
      %rem3A_542 = arith.remsi %add3A_524, %jit3A_525 : i32
      %ne3A_543 = arith.constant 0 : i32
      %ne3A_544 = arith.cmpi ne, %rem3A_542, %ne3A_543 : i32
      %and3A_545 = arith.andi %ne3A_541, %ne3A_544 : i1
      %sub3A_546 = arith.constant 1 : i32
      %sub3A_547 = arith.subi %div3A_526, %sub3A_546 : i32
      %select_n3A_548 = arith.select %and3A_545, %sub3A_547, %div3A_526 : i32
      %rem3A_549 = arith.constant 20 : i32
      %rem3A_550 = arith.remsi %add3A_524, %rem3A_549 : i32
      %jit3A_551 = arith.constant 8 : i32
      %div3A_552 = arith.divsi %squeeze3A_519, %jit3A_551 : i32
      %sign3A_553 = arith.constant 0 : i32
      %sign3A_554 = arith.cmpi sgt, %squeeze3A_519, %sign3A_553 : i32
      %sign3A_555 = arith.extui %sign3A_554 : i1 to i32
      %sign3A_556 = arith.constant 0 : i32
      %sign3A_557 = arith.cmpi slt, %squeeze3A_519, %sign3A_556 : i32
      %sign3A_558 = arith.extui %sign3A_557 : i1 to i32
      %sign3A_559 = arith.subi %sign3A_555, %sign3A_558 : i32
      %sign3A_560 = arith.constant 0 : i32
      %sign3A_561 = arith.cmpi sgt, %jit3A_551, %sign3A_560 : i32
      %sign3A_562 = arith.extui %sign3A_561 : i1 to i32
      %sign3A_563 = arith.constant 0 : i32
      %sign3A_564 = arith.cmpi slt, %jit3A_551, %sign3A_563 : i32
      %sign3A_565 = arith.extui %sign3A_564 : i1 to i32
      %sign3A_566 = arith.subi %sign3A_562, %sign3A_565 : i32
      %ne3A_567 = arith.cmpi ne, %sign3A_559, %sign3A_566 : i32
      %rem3A_568 = arith.remsi %squeeze3A_519, %jit3A_551 : i32
      %ne3A_569 = arith.constant 0 : i32
      %ne3A_570 = arith.cmpi ne, %rem3A_568, %ne3A_569 : i32
      %and3A_571 = arith.andi %ne3A_567, %ne3A_570 : i1
      %sub3A_572 = arith.constant 1 : i32
      %sub3A_573 = arith.subi %div3A_552, %sub3A_572 : i32
      %select_n3A_574 = arith.select %and3A_571, %sub3A_573, %div3A_552 : i32
      %mul3A_575 = arith.constant 8 : i32
      %mul3A_576 = arith.muli %select_n3A_574, %mul3A_575 : i32
      %rem3A_577 = arith.constant 8 : i32
      %rem3A_578 = arith.remsi %squeeze3A_519, %rem3A_577 : i32
      %dma_start3A_579 = arith.constant 0 : i32
      %dma_start3A_580 = arith.constant 0 : i32
      %dma_start3A_581 = arith.constant 0 : i32
      %dma_start3A_582 = tpu.memref_slice %arg7[%rem3A_578, %dma_start3A_579, %dma_start3A_580, %dma_start3A_581] : memref<8x1x1x8xf32, #tpu.memory_space<vmem>> -> memref<1x1x1x8xf32, #tpu.memory_space<vmem>>
      %dma_start3A_583 = tpu.memref_squeeze %dma_start3A_582 : memref<1x1x1x8xf32, #tpu.memory_space<vmem>> -> memref<1x1x8xf32, #tpu.memory_space<vmem>>
      %dma_start3A_584 = tpu.memref_slice %arg4[%select_n3A_548, %rem3A_550, %mul3A_576] : memref<4096x20x1000xf32, #tpu.memory_space<hbm>> -> memref<1x1x8xf32, #tpu.memory_space<hbm>>
      %dma_start3A_585 = tpu.memref_slice %arg4[%select_n3A_548, %rem3A_550, %mul3A_576] : memref<4096x20x1000xf32, #tpu.memory_space<hbm>> -> memref<1x1x8xf32, #tpu.memory_space<hbm>>
      %dma_start3A_586 = arith.constant 0 : i32
      %dma_start3A_587 = arith.constant 0 : i32
      %dma_start3A_588 = arith.constant 0 : i32
      %dma_start3A_589 = tpu.memref_slice %arg7[%rem3A_578, %dma_start3A_586, %dma_start3A_587, %dma_start3A_588] : memref<8x1x1x8xf32, #tpu.memory_space<vmem>> -> memref<1x1x1x8xf32, #tpu.memory_space<vmem>>
      %dma_start3A_590 = tpu.memref_squeeze %dma_start3A_589 : memref<1x1x1x8xf32, #tpu.memory_space<vmem>> -> memref<1x1x8xf32, #tpu.memory_space<vmem>>
      tpu.enqueue_dma source(%dma_start3A_590 : memref<1x1x8xf32, #tpu.memory_space<vmem>>) target(%dma_start3A_585 : memref<1x1x8xf32, #tpu.memory_space<hbm>>) target_semaphore(%arg8 : memref<!tpu.dma_semaphore, #tpu.memory_space<semaphore_mem>>)
      %slice3A_591 = vector.extract_strided_slice %get3A_17 {offsets = [8], sizes = [1], strides = [1]} : vector<16xi32> to vector<1xi32>
      %squeeze3A_592 = vector.extract %slice3A_591[0] : i32 from vector<1xi32>
      %mul3A_593 = arith.constant 16 : i32
      %mul3A_594 = arith.muli %scan3A_14, %mul3A_593 : i32
      %add3A_595 = arith.addi %mul3A_2, %mul3A_594 : i32
      %add3A_596 = arith.constant 8 : i32
      %add3A_597 = arith.addi %add3A_595, %add3A_596 : i32
      %jit3A_598 = arith.constant 20 : i32
      %div3A_599 = arith.divsi %add3A_597, %jit3A_598 : i32
      %sign3A_600 = arith.constant 0 : i32
      %sign3A_601 = arith.cmpi sgt, %add3A_597, %sign3A_600 : i32
      %sign3A_602 = arith.extui %sign3A_601 : i1 to i32
      %sign3A_603 = arith.constant 0 : i32
      %sign3A_604 = arith.cmpi slt, %add3A_597, %sign3A_603 : i32
      %sign3A_605 = arith.extui %sign3A_604 : i1 to i32
      %sign3A_606 = arith.subi %sign3A_602, %sign3A_605 : i32
      %sign3A_607 = arith.constant 0 : i32
      %sign3A_608 = arith.cmpi sgt, %jit3A_598, %sign3A_607 : i32
      %sign3A_609 = arith.extui %sign3A_608 : i1 to i32
      %sign3A_610 = arith.constant 0 : i32
      %sign3A_611 = arith.cmpi slt, %jit3A_598, %sign3A_610 : i32
      %sign3A_612 = arith.extui %sign3A_611 : i1 to i32
      %sign3A_613 = arith.subi %sign3A_609, %sign3A_612 : i32
      %ne3A_614 = arith.cmpi ne, %sign3A_606, %sign3A_613 : i32
      %rem3A_615 = arith.remsi %add3A_597, %jit3A_598 : i32
      %ne3A_616 = arith.constant 0 : i32
      %ne3A_617 = arith.cmpi ne, %rem3A_615, %ne3A_616 : i32
      %and3A_618 = arith.andi %ne3A_614, %ne3A_617 : i1
      %sub3A_619 = arith.constant 1 : i32
      %sub3A_620 = arith.subi %div3A_599, %sub3A_619 : i32
      %select_n3A_621 = arith.select %and3A_618, %sub3A_620, %div3A_599 : i32
      %rem3A_622 = arith.constant 20 : i32
      %rem3A_623 = arith.remsi %add3A_597, %rem3A_622 : i32
      %jit3A_624 = arith.constant 8 : i32
      %div3A_625 = arith.divsi %squeeze3A_592, %jit3A_624 : i32
      %sign3A_626 = arith.constant 0 : i32
      %sign3A_627 = arith.cmpi sgt, %squeeze3A_592, %sign3A_626 : i32
      %sign3A_628 = arith.extui %sign3A_627 : i1 to i32
      %sign3A_629 = arith.constant 0 : i32
      %sign3A_630 = arith.cmpi slt, %squeeze3A_592, %sign3A_629 : i32
      %sign3A_631 = arith.extui %sign3A_630 : i1 to i32
      %sign3A_632 = arith.subi %sign3A_628, %sign3A_631 : i32
      %sign3A_633 = arith.constant 0 : i32
      %sign3A_634 = arith.cmpi sgt, %jit3A_624, %sign3A_633 : i32
      %sign3A_635 = arith.extui %sign3A_634 : i1 to i32
      %sign3A_636 = arith.constant 0 : i32
      %sign3A_637 = arith.cmpi slt, %jit3A_624, %sign3A_636 : i32
      %sign3A_638 = arith.extui %sign3A_637 : i1 to i32
      %sign3A_639 = arith.subi %sign3A_635, %sign3A_638 : i32
      %ne3A_640 = arith.cmpi ne, %sign3A_632, %sign3A_639 : i32
      %rem3A_641 = arith.remsi %squeeze3A_592, %jit3A_624 : i32
      %ne3A_642 = arith.constant 0 : i32
      %ne3A_643 = arith.cmpi ne, %rem3A_641, %ne3A_642 : i32
      %and3A_644 = arith.andi %ne3A_640, %ne3A_643 : i1
      %sub3A_645 = arith.constant 1 : i32
      %sub3A_646 = arith.subi %div3A_625, %sub3A_645 : i32
      %select_n3A_647 = arith.select %and3A_644, %sub3A_646, %div3A_625 : i32
      %mul3A_648 = arith.constant 8 : i32
      %mul3A_649 = arith.muli %select_n3A_647, %mul3A_648 : i32
      %rem3A_650 = arith.constant 8 : i32
      %rem3A_651 = arith.remsi %squeeze3A_592, %rem3A_650 : i32
      %dma_start3A_652 = arith.constant 0 : i32
      %dma_start3A_653 = arith.constant 0 : i32
      %dma_start3A_654 = arith.constant 0 : i32
      %dma_start3A_655 = tpu.memref_slice %arg7[%rem3A_651, %dma_start3A_652, %dma_start3A_653, %dma_start3A_654] : memref<8x1x1x8xf32, #tpu.memory_space<vmem>> -> memref<1x1x1x8xf32, #tpu.memory_space<vmem>>
      %dma_start3A_656 = tpu.memref_squeeze %dma_start3A_655 : memref<1x1x1x8xf32, #tpu.memory_space<vmem>> -> memref<1x1x8xf32, #tpu.memory_space<vmem>>
      %dma_start3A_657 = tpu.memref_slice %arg4[%select_n3A_621, %rem3A_623, %mul3A_649] : memref<4096x20x1000xf32, #tpu.memory_space<hbm>> -> memref<1x1x8xf32, #tpu.memory_space<hbm>>
      %dma_start3A_658 = tpu.memref_slice %arg4[%select_n3A_621, %rem3A_623, %mul3A_649] : memref<4096x20x1000xf32, #tpu.memory_space<hbm>> -> memref<1x1x8xf32, #tpu.memory_space<hbm>>
      %dma_start3A_659 = arith.constant 0 : i32
      %dma_start3A_660 = arith.constant 0 : i32
      %dma_start3A_661 = arith.constant 0 : i32
      %dma_start3A_662 = tpu.memref_slice %arg7[%rem3A_651, %dma_start3A_659, %dma_start3A_660, %dma_start3A_661] : memref<8x1x1x8xf32, #tpu.memory_space<vmem>> -> memref<1x1x1x8xf32, #tpu.memory_space<vmem>>
      %dma_start3A_663 = tpu.memref_squeeze %dma_start3A_662 : memref<1x1x1x8xf32, #tpu.memory_space<vmem>> -> memref<1x1x8xf32, #tpu.memory_space<vmem>>
      tpu.enqueue_dma source(%dma_start3A_663 : memref<1x1x8xf32, #tpu.memory_space<vmem>>) target(%dma_start3A_658 : memref<1x1x8xf32, #tpu.memory_space<hbm>>) target_semaphore(%arg8 : memref<!tpu.dma_semaphore, #tpu.memory_space<semaphore_mem>>)
      %slice3A_664 = vector.extract_strided_slice %get3A_17 {offsets = [9], sizes = [1], strides = [1]} : vector<16xi32> to vector<1xi32>
      %squeeze3A_665 = vector.extract %slice3A_664[0] : i32 from vector<1xi32>
      %mul3A_666 = arith.constant 16 : i32
      %mul3A_667 = arith.muli %scan3A_14, %mul3A_666 : i32
      %add3A_668 = arith.addi %mul3A_2, %mul3A_667 : i32
      %add3A_669 = arith.constant 9 : i32
      %add3A_670 = arith.addi %add3A_668, %add3A_669 : i32
      %jit3A_671 = arith.constant 20 : i32
      %div3A_672 = arith.divsi %add3A_670, %jit3A_671 : i32
      %sign3A_673 = arith.constant 0 : i32
      %sign3A_674 = arith.cmpi sgt, %add3A_670, %sign3A_673 : i32
      %sign3A_675 = arith.extui %sign3A_674 : i1 to i32
      %sign3A_676 = arith.constant 0 : i32
      %sign3A_677 = arith.cmpi slt, %add3A_670, %sign3A_676 : i32
      %sign3A_678 = arith.extui %sign3A_677 : i1 to i32
      %sign3A_679 = arith.subi %sign3A_675, %sign3A_678 : i32
      %sign3A_680 = arith.constant 0 : i32
      %sign3A_681 = arith.cmpi sgt, %jit3A_671, %sign3A_680 : i32
      %sign3A_682 = arith.extui %sign3A_681 : i1 to i32
      %sign3A_683 = arith.constant 0 : i32
      %sign3A_684 = arith.cmpi slt, %jit3A_671, %sign3A_683 : i32
      %sign3A_685 = arith.extui %sign3A_684 : i1 to i32
      %sign3A_686 = arith.subi %sign3A_682, %sign3A_685 : i32
      %ne3A_687 = arith.cmpi ne, %sign3A_679, %sign3A_686 : i32
      %rem3A_688 = arith.remsi %add3A_670, %jit3A_671 : i32
      %ne3A_689 = arith.constant 0 : i32
      %ne3A_690 = arith.cmpi ne, %rem3A_688, %ne3A_689 : i32
      %and3A_691 = arith.andi %ne3A_687, %ne3A_690 : i1
      %sub3A_692 = arith.constant 1 : i32
      %sub3A_693 = arith.subi %div3A_672, %sub3A_692 : i32
      %select_n3A_694 = arith.select %and3A_691, %sub3A_693, %div3A_672 : i32
      %rem3A_695 = arith.constant 20 : i32
      %rem3A_696 = arith.remsi %add3A_670, %rem3A_695 : i32
      %jit3A_697 = arith.constant 8 : i32
      %div3A_698 = arith.divsi %squeeze3A_665, %jit3A_697 : i32
      %sign3A_699 = arith.constant 0 : i32
      %sign3A_700 = arith.cmpi sgt, %squeeze3A_665, %sign3A_699 : i32
      %sign3A_701 = arith.extui %sign3A_700 : i1 to i32
      %sign3A_702 = arith.constant 0 : i32
      %sign3A_703 = arith.cmpi slt, %squeeze3A_665, %sign3A_702 : i32
      %sign3A_704 = arith.extui %sign3A_703 : i1 to i32
      %sign3A_705 = arith.subi %sign3A_701, %sign3A_704 : i32
      %sign3A_706 = arith.constant 0 : i32
      %sign3A_707 = arith.cmpi sgt, %jit3A_697, %sign3A_706 : i32
      %sign3A_708 = arith.extui %sign3A_707 : i1 to i32
      %sign3A_709 = arith.constant 0 : i32
      %sign3A_710 = arith.cmpi slt, %jit3A_697, %sign3A_709 : i32
      %sign3A_711 = arith.extui %sign3A_710 : i1 to i32
      %sign3A_712 = arith.subi %sign3A_708, %sign3A_711 : i32
      %ne3A_713 = arith.cmpi ne, %sign3A_705, %sign3A_712 : i32
      %rem3A_714 = arith.remsi %squeeze3A_665, %jit3A_697 : i32
      %ne3A_715 = arith.constant 0 : i32
      %ne3A_716 = arith.cmpi ne, %rem3A_714, %ne3A_715 : i32
      %and3A_717 = arith.andi %ne3A_713, %ne3A_716 : i1
      %sub3A_718 = arith.constant 1 : i32
      %sub3A_719 = arith.subi %div3A_698, %sub3A_718 : i32
      %select_n3A_720 = arith.select %and3A_717, %sub3A_719, %div3A_698 : i32
      %mul3A_721 = arith.constant 8 : i32
      %mul3A_722 = arith.muli %select_n3A_720, %mul3A_721 : i32
      %rem3A_723 = arith.constant 8 : i32
      %rem3A_724 = arith.remsi %squeeze3A_665, %rem3A_723 : i32
      %dma_start3A_725 = arith.constant 0 : i32
      %dma_start3A_726 = arith.constant 0 : i32
      %dma_start3A_727 = arith.constant 0 : i32
      %dma_start3A_728 = tpu.memref_slice %arg7[%rem3A_724, %dma_start3A_725, %dma_start3A_726, %dma_start3A_727] : memref<8x1x1x8xf32, #tpu.memory_space<vmem>> -> memref<1x1x1x8xf32, #tpu.memory_space<vmem>>
      %dma_start3A_729 = tpu.memref_squeeze %dma_start3A_728 : memref<1x1x1x8xf32, #tpu.memory_space<vmem>> -> memref<1x1x8xf32, #tpu.memory_space<vmem>>
      %dma_start3A_730 = tpu.memref_slice %arg4[%select_n3A_694, %rem3A_696, %mul3A_722] : memref<4096x20x1000xf32, #tpu.memory_space<hbm>> -> memref<1x1x8xf32, #tpu.memory_space<hbm>>
      %dma_start3A_731 = tpu.memref_slice %arg4[%select_n3A_694, %rem3A_696, %mul3A_722] : memref<4096x20x1000xf32, #tpu.memory_space<hbm>> -> memref<1x1x8xf32, #tpu.memory_space<hbm>>
      %dma_start3A_732 = arith.constant 0 : i32
      %dma_start3A_733 = arith.constant 0 : i32
      %dma_start3A_734 = arith.constant 0 : i32
      %dma_start3A_735 = tpu.memref_slice %arg7[%rem3A_724, %dma_start3A_732, %dma_start3A_733, %dma_start3A_734] : memref<8x1x1x8xf32, #tpu.memory_space<vmem>> -> memref<1x1x1x8xf32, #tpu.memory_space<vmem>>
      %dma_start3A_736 = tpu.memref_squeeze %dma_start3A_735 : memref<1x1x1x8xf32, #tpu.memory_space<vmem>> -> memref<1x1x8xf32, #tpu.memory_space<vmem>>
      tpu.enqueue_dma source(%dma_start3A_736 : memref<1x1x8xf32, #tpu.memory_space<vmem>>) target(%dma_start3A_731 : memref<1x1x8xf32, #tpu.memory_space<hbm>>) target_semaphore(%arg8 : memref<!tpu.dma_semaphore, #tpu.memory_space<semaphore_mem>>)
      %slice3A_737 = vector.extract_strided_slice %get3A_17 {offsets = [10], sizes = [1], strides = [1]} : vector<16xi32> to vector<1xi32>
      %squeeze3A_738 = vector.extract %slice3A_737[0] : i32 from vector<1xi32>
      %mul3A_739 = arith.constant 16 : i32
      %mul3A_740 = arith.muli %scan3A_14, %mul3A_739 : i32
      %add3A_741 = arith.addi %mul3A_2, %mul3A_740 : i32
      %add3A_742 = arith.constant 10 : i32
      %add3A_743 = arith.addi %add3A_741, %add3A_742 : i32
      %jit3A_744 = arith.constant 20 : i32
      %div3A_745 = arith.divsi %add3A_743, %jit3A_744 : i32
      %sign3A_746 = arith.constant 0 : i32
      %sign3A_747 = arith.cmpi sgt, %add3A_743, %sign3A_746 : i32
      %sign3A_748 = arith.extui %sign3A_747 : i1 to i32
      %sign3A_749 = arith.constant 0 : i32
      %sign3A_750 = arith.cmpi slt, %add3A_743, %sign3A_749 : i32
      %sign3A_751 = arith.extui %sign3A_750 : i1 to i32
      %sign3A_752 = arith.subi %sign3A_748, %sign3A_751 : i32
      %sign3A_753 = arith.constant 0 : i32
      %sign3A_754 = arith.cmpi sgt, %jit3A_744, %sign3A_753 : i32
      %sign3A_755 = arith.extui %sign3A_754 : i1 to i32
      %sign3A_756 = arith.constant 0 : i32
      %sign3A_757 = arith.cmpi slt, %jit3A_744, %sign3A_756 : i32
      %sign3A_758 = arith.extui %sign3A_757 : i1 to i32
      %sign3A_759 = arith.subi %sign3A_755, %sign3A_758 : i32
      %ne3A_760 = arith.cmpi ne, %sign3A_752, %sign3A_759 : i32
      %rem3A_761 = arith.remsi %add3A_743, %jit3A_744 : i32
      %ne3A_762 = arith.constant 0 : i32
      %ne3A_763 = arith.cmpi ne, %rem3A_761, %ne3A_762 : i32
      %and3A_764 = arith.andi %ne3A_760, %ne3A_763 : i1
      %sub3A_765 = arith.constant 1 : i32
      %sub3A_766 = arith.subi %div3A_745, %sub3A_765 : i32
      %select_n3A_767 = arith.select %and3A_764, %sub3A_766, %div3A_745 : i32
      %rem3A_768 = arith.constant 20 : i32
      %rem3A_769 = arith.remsi %add3A_743, %rem3A_768 : i32
      %jit3A_770 = arith.constant 8 : i32
      %div3A_771 = arith.divsi %squeeze3A_738, %jit3A_770 : i32
      %sign3A_772 = arith.constant 0 : i32
      %sign3A_773 = arith.cmpi sgt, %squeeze3A_738, %sign3A_772 : i32
      %sign3A_774 = arith.extui %sign3A_773 : i1 to i32
      %sign3A_775 = arith.constant 0 : i32
      %sign3A_776 = arith.cmpi slt, %squeeze3A_738, %sign3A_775 : i32
      %sign3A_777 = arith.extui %sign3A_776 : i1 to i32
      %sign3A_778 = arith.subi %sign3A_774, %sign3A_777 : i32
      %sign3A_779 = arith.constant 0 : i32
      %sign3A_780 = arith.cmpi sgt, %jit3A_770, %sign3A_779 : i32
      %sign3A_781 = arith.extui %sign3A_780 : i1 to i32
      %sign3A_782 = arith.constant 0 : i32
      %sign3A_783 = arith.cmpi slt, %jit3A_770, %sign3A_782 : i32
      %sign3A_784 = arith.extui %sign3A_783 : i1 to i32
      %sign3A_785 = arith.subi %sign3A_781, %sign3A_784 : i32
      %ne3A_786 = arith.cmpi ne, %sign3A_778, %sign3A_785 : i32
      %rem3A_787 = arith.remsi %squeeze3A_738, %jit3A_770 : i32
      %ne3A_788 = arith.constant 0 : i32
      %ne3A_789 = arith.cmpi ne, %rem3A_787, %ne3A_788 : i32
      %and3A_790 = arith.andi %ne3A_786, %ne3A_789 : i1
      %sub3A_791 = arith.constant 1 : i32
      %sub3A_792 = arith.subi %div3A_771, %sub3A_791 : i32
      %select_n3A_793 = arith.select %and3A_790, %sub3A_792, %div3A_771 : i32
      %mul3A_794 = arith.constant 8 : i32
      %mul3A_795 = arith.muli %select_n3A_793, %mul3A_794 : i32
      %rem3A_796 = arith.constant 8 : i32
      %rem3A_797 = arith.remsi %squeeze3A_738, %rem3A_796 : i32
      %dma_start3A_798 = arith.constant 0 : i32
      %dma_start3A_799 = arith.constant 0 : i32
      %dma_start3A_800 = arith.constant 0 : i32
      %dma_start3A_801 = tpu.memref_slice %arg7[%rem3A_797, %dma_start3A_798, %dma_start3A_799, %dma_start3A_800] : memref<8x1x1x8xf32, #tpu.memory_space<vmem>> -> memref<1x1x1x8xf32, #tpu.memory_space<vmem>>
      %dma_start3A_802 = tpu.memref_squeeze %dma_start3A_801 : memref<1x1x1x8xf32, #tpu.memory_space<vmem>> -> memref<1x1x8xf32, #tpu.memory_space<vmem>>
      %dma_start3A_803 = tpu.memref_slice %arg4[%select_n3A_767, %rem3A_769, %mul3A_795] : memref<4096x20x1000xf32, #tpu.memory_space<hbm>> -> memref<1x1x8xf32, #tpu.memory_space<hbm>>
      %dma_start3A_804 = tpu.memref_slice %arg4[%select_n3A_767, %rem3A_769, %mul3A_795] : memref<4096x20x1000xf32, #tpu.memory_space<hbm>> -> memref<1x1x8xf32, #tpu.memory_space<hbm>>
      %dma_start3A_805 = arith.constant 0 : i32
      %dma_start3A_806 = arith.constant 0 : i32
      %dma_start3A_807 = arith.constant 0 : i32
      %dma_start3A_808 = tpu.memref_slice %arg7[%rem3A_797, %dma_start3A_805, %dma_start3A_806, %dma_start3A_807] : memref<8x1x1x8xf32, #tpu.memory_space<vmem>> -> memref<1x1x1x8xf32, #tpu.memory_space<vmem>>
      %dma_start3A_809 = tpu.memref_squeeze %dma_start3A_808 : memref<1x1x1x8xf32, #tpu.memory_space<vmem>> -> memref<1x1x8xf32, #tpu.memory_space<vmem>>
      tpu.enqueue_dma source(%dma_start3A_809 : memref<1x1x8xf32, #tpu.memory_space<vmem>>) target(%dma_start3A_804 : memref<1x1x8xf32, #tpu.memory_space<hbm>>) target_semaphore(%arg8 : memref<!tpu.dma_semaphore, #tpu.memory_space<semaphore_mem>>)
      %slice3A_810 = vector.extract_strided_slice %get3A_17 {offsets = [11], sizes = [1], strides = [1]} : vector<16xi32> to vector<1xi32>
      %squeeze3A_811 = vector.extract %slice3A_810[0] : i32 from vector<1xi32>
      %mul3A_812 = arith.constant 16 : i32
      %mul3A_813 = arith.muli %scan3A_14, %mul3A_812 : i32
      %add3A_814 = arith.addi %mul3A_2, %mul3A_813 : i32
      %add3A_815 = arith.constant 11 : i32
      %add3A_816 = arith.addi %add3A_814, %add3A_815 : i32
      %jit3A_817 = arith.constant 20 : i32
      %div3A_818 = arith.divsi %add3A_816, %jit3A_817 : i32
      %sign3A_819 = arith.constant 0 : i32
      %sign3A_820 = arith.cmpi sgt, %add3A_816, %sign3A_819 : i32
      %sign3A_821 = arith.extui %sign3A_820 : i1 to i32
      %sign3A_822 = arith.constant 0 : i32
      %sign3A_823 = arith.cmpi slt, %add3A_816, %sign3A_822 : i32
      %sign3A_824 = arith.extui %sign3A_823 : i1 to i32
      %sign3A_825 = arith.subi %sign3A_821, %sign3A_824 : i32
      %sign3A_826 = arith.constant 0 : i32
      %sign3A_827 = arith.cmpi sgt, %jit3A_817, %sign3A_826 : i32
      %sign3A_828 = arith.extui %sign3A_827 : i1 to i32
      %sign3A_829 = arith.constant 0 : i32
      %sign3A_830 = arith.cmpi slt, %jit3A_817, %sign3A_829 : i32
      %sign3A_831 = arith.extui %sign3A_830 : i1 to i32
      %sign3A_832 = arith.subi %sign3A_828, %sign3A_831 : i32
      %ne3A_833 = arith.cmpi ne, %sign3A_825, %sign3A_832 : i32
      %rem3A_834 = arith.remsi %add3A_816, %jit3A_817 : i32
      %ne3A_835 = arith.constant 0 : i32
      %ne3A_836 = arith.cmpi ne, %rem3A_834, %ne3A_835 : i32
      %and3A_837 = arith.andi %ne3A_833, %ne3A_836 : i1
      %sub3A_838 = arith.constant 1 : i32
      %sub3A_839 = arith.subi %div3A_818, %sub3A_838 : i32
      %select_n3A_840 = arith.select %and3A_837, %sub3A_839, %div3A_818 : i32
      %rem3A_841 = arith.constant 20 : i32
      %rem3A_842 = arith.remsi %add3A_816, %rem3A_841 : i32
      %jit3A_843 = arith.constant 8 : i32
      %div3A_844 = arith.divsi %squeeze3A_811, %jit3A_843 : i32
      %sign3A_845 = arith.constant 0 : i32
      %sign3A_846 = arith.cmpi sgt, %squeeze3A_811, %sign3A_845 : i32
      %sign3A_847 = arith.extui %sign3A_846 : i1 to i32
      %sign3A_848 = arith.constant 0 : i32
      %sign3A_849 = arith.cmpi slt, %squeeze3A_811, %sign3A_848 : i32
      %sign3A_850 = arith.extui %sign3A_849 : i1 to i32
      %sign3A_851 = arith.subi %sign3A_847, %sign3A_850 : i32
      %sign3A_852 = arith.constant 0 : i32
      %sign3A_853 = arith.cmpi sgt, %jit3A_843, %sign3A_852 : i32
      %sign3A_854 = arith.extui %sign3A_853 : i1 to i32
      %sign3A_855 = arith.constant 0 : i32
      %sign3A_856 = arith.cmpi slt, %jit3A_843, %sign3A_855 : i32
      %sign3A_857 = arith.extui %sign3A_856 : i1 to i32
      %sign3A_858 = arith.subi %sign3A_854, %sign3A_857 : i32
      %ne3A_859 = arith.cmpi ne, %sign3A_851, %sign3A_858 : i32
      %rem3A_860 = arith.remsi %squeeze3A_811, %jit3A_843 : i32
      %ne3A_861 = arith.constant 0 : i32
      %ne3A_862 = arith.cmpi ne, %rem3A_860, %ne3A_861 : i32
      %and3A_863 = arith.andi %ne3A_859, %ne3A_862 : i1
      %sub3A_864 = arith.constant 1 : i32
      %sub3A_865 = arith.subi %div3A_844, %sub3A_864 : i32
      %select_n3A_866 = arith.select %and3A_863, %sub3A_865, %div3A_844 : i32
      %mul3A_867 = arith.constant 8 : i32
      %mul3A_868 = arith.muli %select_n3A_866, %mul3A_867 : i32
      %rem3A_869 = arith.constant 8 : i32
      %rem3A_870 = arith.remsi %squeeze3A_811, %rem3A_869 : i32
      %dma_start3A_871 = arith.constant 0 : i32
      %dma_start3A_872 = arith.constant 0 : i32
      %dma_start3A_873 = arith.constant 0 : i32
      %dma_start3A_874 = tpu.memref_slice %arg7[%rem3A_870, %dma_start3A_871, %dma_start3A_872, %dma_start3A_873] : memref<8x1x1x8xf32, #tpu.memory_space<vmem>> -> memref<1x1x1x8xf32, #tpu.memory_space<vmem>>
      %dma_start3A_875 = tpu.memref_squeeze %dma_start3A_874 : memref<1x1x1x8xf32, #tpu.memory_space<vmem>> -> memref<1x1x8xf32, #tpu.memory_space<vmem>>
      %dma_start3A_876 = tpu.memref_slice %arg4[%select_n3A_840, %rem3A_842, %mul3A_868] : memref<4096x20x1000xf32, #tpu.memory_space<hbm>> -> memref<1x1x8xf32, #tpu.memory_space<hbm>>
      %dma_start3A_877 = tpu.memref_slice %arg4[%select_n3A_840, %rem3A_842, %mul3A_868] : memref<4096x20x1000xf32, #tpu.memory_space<hbm>> -> memref<1x1x8xf32, #tpu.memory_space<hbm>>
      %dma_start3A_878 = arith.constant 0 : i32
      %dma_start3A_879 = arith.constant 0 : i32
      %dma_start3A_880 = arith.constant 0 : i32
      %dma_start3A_881 = tpu.memref_slice %arg7[%rem3A_870, %dma_start3A_878, %dma_start3A_879, %dma_start3A_880] : memref<8x1x1x8xf32, #tpu.memory_space<vmem>> -> memref<1x1x1x8xf32, #tpu.memory_space<vmem>>
      %dma_start3A_882 = tpu.memref_squeeze %dma_start3A_881 : memref<1x1x1x8xf32, #tpu.memory_space<vmem>> -> memref<1x1x8xf32, #tpu.memory_space<vmem>>
      tpu.enqueue_dma source(%dma_start3A_882 : memref<1x1x8xf32, #tpu.memory_space<vmem>>) target(%dma_start3A_877 : memref<1x1x8xf32, #tpu.memory_space<hbm>>) target_semaphore(%arg8 : memref<!tpu.dma_semaphore, #tpu.memory_space<semaphore_mem>>)
      %slice3A_883 = vector.extract_strided_slice %get3A_17 {offsets = [12], sizes = [1], strides = [1]} : vector<16xi32> to vector<1xi32>
      %squeeze3A_884 = vector.extract %slice3A_883[0] : i32 from vector<1xi32>
      %mul3A_885 = arith.constant 16 : i32
      %mul3A_886 = arith.muli %scan3A_14, %mul3A_885 : i32
      %add3A_887 = arith.addi %mul3A_2, %mul3A_886 : i32
      %add3A_888 = arith.constant 12 : i32
      %add3A_889 = arith.addi %add3A_887, %add3A_888 : i32
      %jit3A_890 = arith.constant 20 : i32
      %div3A_891 = arith.divsi %add3A_889, %jit3A_890 : i32
      %sign3A_892 = arith.constant 0 : i32
      %sign3A_893 = arith.cmpi sgt, %add3A_889, %sign3A_892 : i32
      %sign3A_894 = arith.extui %sign3A_893 : i1 to i32
      %sign3A_895 = arith.constant 0 : i32
      %sign3A_896 = arith.cmpi slt, %add3A_889, %sign3A_895 : i32
      %sign3A_897 = arith.extui %sign3A_896 : i1 to i32
      %sign3A_898 = arith.subi %sign3A_894, %sign3A_897 : i32
      %sign3A_899 = arith.constant 0 : i32
      %sign3A_900 = arith.cmpi sgt, %jit3A_890, %sign3A_899 : i32
      %sign3A_901 = arith.extui %sign3A_900 : i1 to i32
      %sign3A_902 = arith.constant 0 : i32
      %sign3A_903 = arith.cmpi slt, %jit3A_890, %sign3A_902 : i32
      %sign3A_904 = arith.extui %sign3A_903 : i1 to i32
      %sign3A_905 = arith.subi %sign3A_901, %sign3A_904 : i32
      %ne3A_906 = arith.cmpi ne, %sign3A_898, %sign3A_905 : i32
      %rem3A_907 = arith.remsi %add3A_889, %jit3A_890 : i32
      %ne3A_908 = arith.constant 0 : i32
      %ne3A_909 = arith.cmpi ne, %rem3A_907, %ne3A_908 : i32
      %and3A_910 = arith.andi %ne3A_906, %ne3A_909 : i1
      %sub3A_911 = arith.constant 1 : i32
      %sub3A_912 = arith.subi %div3A_891, %sub3A_911 : i32
      %select_n3A_913 = arith.select %and3A_910, %sub3A_912, %div3A_891 : i32
      %rem3A_914 = arith.constant 20 : i32
      %rem3A_915 = arith.remsi %add3A_889, %rem3A_914 : i32
      %jit3A_916 = arith.constant 8 : i32
      %div3A_917 = arith.divsi %squeeze3A_884, %jit3A_916 : i32
      %sign3A_918 = arith.constant 0 : i32
      %sign3A_919 = arith.cmpi sgt, %squeeze3A_884, %sign3A_918 : i32
      %sign3A_920 = arith.extui %sign3A_919 : i1 to i32
      %sign3A_921 = arith.constant 0 : i32
      %sign3A_922 = arith.cmpi slt, %squeeze3A_884, %sign3A_921 : i32
      %sign3A_923 = arith.extui %sign3A_922 : i1 to i32
      %sign3A_924 = arith.subi %sign3A_920, %sign3A_923 : i32
      %sign3A_925 = arith.constant 0 : i32
      %sign3A_926 = arith.cmpi sgt, %jit3A_916, %sign3A_925 : i32
      %sign3A_927 = arith.extui %sign3A_926 : i1 to i32
      %sign3A_928 = arith.constant 0 : i32
      %sign3A_929 = arith.cmpi slt, %jit3A_916, %sign3A_928 : i32
      %sign3A_930 = arith.extui %sign3A_929 : i1 to i32
      %sign3A_931 = arith.subi %sign3A_927, %sign3A_930 : i32
      %ne3A_932 = arith.cmpi ne, %sign3A_924, %sign3A_931 : i32
      %rem3A_933 = arith.remsi %squeeze3A_884, %jit3A_916 : i32
      %ne3A_934 = arith.constant 0 : i32
      %ne3A_935 = arith.cmpi ne, %rem3A_933, %ne3A_934 : i32
      %and3A_936 = arith.andi %ne3A_932, %ne3A_935 : i1
      %sub3A_937 = arith.constant 1 : i32
      %sub3A_938 = arith.subi %div3A_917, %sub3A_937 : i32
      %select_n3A_939 = arith.select %and3A_936, %sub3A_938, %div3A_917 : i32
      %mul3A_940 = arith.constant 8 : i32
      %mul3A_941 = arith.muli %select_n3A_939, %mul3A_940 : i32
      %rem3A_942 = arith.constant 8 : i32
      %rem3A_943 = arith.remsi %squeeze3A_884, %rem3A_942 : i32
      %dma_start3A_944 = arith.constant 0 : i32
      %dma_start3A_945 = arith.constant 0 : i32
      %dma_start3A_946 = arith.constant 0 : i32
      %dma_start3A_947 = tpu.memref_slice %arg7[%rem3A_943, %dma_start3A_944, %dma_start3A_945, %dma_start3A_946] : memref<8x1x1x8xf32, #tpu.memory_space<vmem>> -> memref<1x1x1x8xf32, #tpu.memory_space<vmem>>
      %dma_start3A_948 = tpu.memref_squeeze %dma_start3A_947 : memref<1x1x1x8xf32, #tpu.memory_space<vmem>> -> memref<1x1x8xf32, #tpu.memory_space<vmem>>
      %dma_start3A_949 = tpu.memref_slice %arg4[%select_n3A_913, %rem3A_915, %mul3A_941] : memref<4096x20x1000xf32, #tpu.memory_space<hbm>> -> memref<1x1x8xf32, #tpu.memory_space<hbm>>
      %dma_start3A_950 = tpu.memref_slice %arg4[%select_n3A_913, %rem3A_915, %mul3A_941] : memref<4096x20x1000xf32, #tpu.memory_space<hbm>> -> memref<1x1x8xf32, #tpu.memory_space<hbm>>
      %dma_start3A_951 = arith.constant 0 : i32
      %dma_start3A_952 = arith.constant 0 : i32
      %dma_start3A_953 = arith.constant 0 : i32
      %dma_start3A_954 = tpu.memref_slice %arg7[%rem3A_943, %dma_start3A_951, %dma_start3A_952, %dma_start3A_953] : memref<8x1x1x8xf32, #tpu.memory_space<vmem>> -> memref<1x1x1x8xf32, #tpu.memory_space<vmem>>
      %dma_start3A_955 = tpu.memref_squeeze %dma_start3A_954 : memref<1x1x1x8xf32, #tpu.memory_space<vmem>> -> memref<1x1x8xf32, #tpu.memory_space<vmem>>
      tpu.enqueue_dma source(%dma_start3A_955 : memref<1x1x8xf32, #tpu.memory_space<vmem>>) target(%dma_start3A_950 : memref<1x1x8xf32, #tpu.memory_space<hbm>>) target_semaphore(%arg8 : memref<!tpu.dma_semaphore, #tpu.memory_space<semaphore_mem>>)
      %slice3A_956 = vector.extract_strided_slice %get3A_17 {offsets = [13], sizes = [1], strides = [1]} : vector<16xi32> to vector<1xi32>
      %squeeze3A_957 = vector.extract %slice3A_956[0] : i32 from vector<1xi32>
      %mul3A_958 = arith.constant 16 : i32
      %mul3A_959 = arith.muli %scan3A_14, %mul3A_958 : i32
      %add3A_960 = arith.addi %mul3A_2, %mul3A_959 : i32
      %add3A_961 = arith.constant 13 : i32
      %add3A_962 = arith.addi %add3A_960, %add3A_961 : i32
      %jit3A_963 = arith.constant 20 : i32
      %div3A_964 = arith.divsi %add3A_962, %jit3A_963 : i32
      %sign3A_965 = arith.constant 0 : i32
      %sign3A_966 = arith.cmpi sgt, %add3A_962, %sign3A_965 : i32
      %sign3A_967 = arith.extui %sign3A_966 : i1 to i32
      %sign3A_968 = arith.constant 0 : i32
      %sign3A_969 = arith.cmpi slt, %add3A_962, %sign3A_968 : i32
      %sign3A_970 = arith.extui %sign3A_969 : i1 to i32
      %sign3A_971 = arith.subi %sign3A_967, %sign3A_970 : i32
      %sign3A_972 = arith.constant 0 : i32
      %sign3A_973 = arith.cmpi sgt, %jit3A_963, %sign3A_972 : i32
      %sign3A_974 = arith.extui %sign3A_973 : i1 to i32
      %sign3A_975 = arith.constant 0 : i32
      %sign3A_976 = arith.cmpi slt, %jit3A_963, %sign3A_975 : i32
      %sign3A_977 = arith.extui %sign3A_976 : i1 to i32
      %sign3A_978 = arith.subi %sign3A_974, %sign3A_977 : i32
      %ne3A_979 = arith.cmpi ne, %sign3A_971, %sign3A_978 : i32
      %rem3A_980 = arith.remsi %add3A_962, %jit3A_963 : i32
      %ne3A_981 = arith.constant 0 : i32
      %ne3A_982 = arith.cmpi ne, %rem3A_980, %ne3A_981 : i32
      %and3A_983 = arith.andi %ne3A_979, %ne3A_982 : i1
      %sub3A_984 = arith.constant 1 : i32
      %sub3A_985 = arith.subi %div3A_964, %sub3A_984 : i32
      %select_n3A_986 = arith.select %and3A_983, %sub3A_985, %div3A_964 : i32
      %rem3A_987 = arith.constant 20 : i32
      %rem3A_988 = arith.remsi %add3A_962, %rem3A_987 : i32
      %jit3A_989 = arith.constant 8 : i32
      %div3A_990 = arith.divsi %squeeze3A_957, %jit3A_989 : i32
      %sign3A_991 = arith.constant 0 : i32
      %sign3A_992 = arith.cmpi sgt, %squeeze3A_957, %sign3A_991 : i32
      %sign3A_993 = arith.extui %sign3A_992 : i1 to i32
      %sign3A_994 = arith.constant 0 : i32
      %sign3A_995 = arith.cmpi slt, %squeeze3A_957, %sign3A_994 : i32
      %sign3A_996 = arith.extui %sign3A_995 : i1 to i32
      %sign3A_997 = arith.subi %sign3A_993, %sign3A_996 : i32
      %sign3A_998 = arith.constant 0 : i32
      %sign3A_999 = arith.cmpi sgt, %jit3A_989, %sign3A_998 : i32
      %sign3A_1000 = arith.extui %sign3A_999 : i1 to i32
      %sign3A_1001 = arith.constant 0 : i32
      %sign3A_1002 = arith.cmpi slt, %jit3A_989, %sign3A_1001 : i32
      %sign3A_1003 = arith.extui %sign3A_1002 : i1 to i32
      %sign3A_1004 = arith.subi %sign3A_1000, %sign3A_1003 : i32
      %ne3A_1005 = arith.cmpi ne, %sign3A_997, %sign3A_1004 : i32
      %rem3A_1006 = arith.remsi %squeeze3A_957, %jit3A_989 : i32
      %ne3A_1007 = arith.constant 0 : i32
      %ne3A_1008 = arith.cmpi ne, %rem3A_1006, %ne3A_1007 : i32
      %and3A_1009 = arith.andi %ne3A_1005, %ne3A_1008 : i1
      %sub3A_1010 = arith.constant 1 : i32
      %sub3A_1011 = arith.subi %div3A_990, %sub3A_1010 : i32
      %select_n3A_1012 = arith.select %and3A_1009, %sub3A_1011, %div3A_990 : i32
      %mul3A_1013 = arith.constant 8 : i32
      %mul3A_1014 = arith.muli %select_n3A_1012, %mul3A_1013 : i32
      %rem3A_1015 = arith.constant 8 : i32
      %rem3A_1016 = arith.remsi %squeeze3A_957, %rem3A_1015 : i32
      %dma_start3A_1017 = arith.constant 0 : i32
      %dma_start3A_1018 = arith.constant 0 : i32
      %dma_start3A_1019 = arith.constant 0 : i32
      %dma_start3A_1020 = tpu.memref_slice %arg7[%rem3A_1016, %dma_start3A_1017, %dma_start3A_1018, %dma_start3A_1019] : memref<8x1x1x8xf32, #tpu.memory_space<vmem>> -> memref<1x1x1x8xf32, #tpu.memory_space<vmem>>
      %dma_start3A_1021 = tpu.memref_squeeze %dma_start3A_1020 : memref<1x1x1x8xf32, #tpu.memory_space<vmem>> -> memref<1x1x8xf32, #tpu.memory_space<vmem>>
      %dma_start3A_1022 = tpu.memref_slice %arg4[%select_n3A_986, %rem3A_988, %mul3A_1014] : memref<4096x20x1000xf32, #tpu.memory_space<hbm>> -> memref<1x1x8xf32, #tpu.memory_space<hbm>>
      %dma_start3A_1023 = tpu.memref_slice %arg4[%select_n3A_986, %rem3A_988, %mul3A_1014] : memref<4096x20x1000xf32, #tpu.memory_space<hbm>> -> memref<1x1x8xf32, #tpu.memory_space<hbm>>
      %dma_start3A_1024 = arith.constant 0 : i32
      %dma_start3A_1025 = arith.constant 0 : i32
      %dma_start3A_1026 = arith.constant 0 : i32
      %dma_start3A_1027 = tpu.memref_slice %arg7[%rem3A_1016, %dma_start3A_1024, %dma_start3A_1025, %dma_start3A_1026] : memref<8x1x1x8xf32, #tpu.memory_space<vmem>> -> memref<1x1x1x8xf32, #tpu.memory_space<vmem>>
      %dma_start3A_1028 = tpu.memref_squeeze %dma_start3A_1027 : memref<1x1x1x8xf32, #tpu.memory_space<vmem>> -> memref<1x1x8xf32, #tpu.memory_space<vmem>>
      tpu.enqueue_dma source(%dma_start3A_1028 : memref<1x1x8xf32, #tpu.memory_space<vmem>>) target(%dma_start3A_1023 : memref<1x1x8xf32, #tpu.memory_space<hbm>>) target_semaphore(%arg8 : memref<!tpu.dma_semaphore, #tpu.memory_space<semaphore_mem>>)
      %slice3A_1029 = vector.extract_strided_slice %get3A_17 {offsets = [14], sizes = [1], strides = [1]} : vector<16xi32> to vector<1xi32>
      %squeeze3A_1030 = vector.extract %slice3A_1029[0] : i32 from vector<1xi32>
      %mul3A_1031 = arith.constant 16 : i32
      %mul3A_1032 = arith.muli %scan3A_14, %mul3A_1031 : i32
      %add3A_1033 = arith.addi %mul3A_2, %mul3A_1032 : i32
      %add3A_1034 = arith.constant 14 : i32
      %add3A_1035 = arith.addi %add3A_1033, %add3A_1034 : i32
      %jit3A_1036 = arith.constant 20 : i32
      %div3A_1037 = arith.divsi %add3A_1035, %jit3A_1036 : i32
      %sign3A_1038 = arith.constant 0 : i32
      %sign3A_1039 = arith.cmpi sgt, %add3A_1035, %sign3A_1038 : i32
      %sign3A_1040 = arith.extui %sign3A_1039 : i1 to i32
      %sign3A_1041 = arith.constant 0 : i32
      %sign3A_1042 = arith.cmpi slt, %add3A_1035, %sign3A_1041 : i32
      %sign3A_1043 = arith.extui %sign3A_1042 : i1 to i32
      %sign3A_1044 = arith.subi %sign3A_1040, %sign3A_1043 : i32
      %sign3A_1045 = arith.constant 0 : i32
      %sign3A_1046 = arith.cmpi sgt, %jit3A_1036, %sign3A_1045 : i32
      %sign3A_1047 = arith.extui %sign3A_1046 : i1 to i32
      %sign3A_1048 = arith.constant 0 : i32
      %sign3A_1049 = arith.cmpi slt, %jit3A_1036, %sign3A_1048 : i32
      %sign3A_1050 = arith.extui %sign3A_1049 : i1 to i32
      %sign3A_1051 = arith.subi %sign3A_1047, %sign3A_1050 : i32
      %ne3A_1052 = arith.cmpi ne, %sign3A_1044, %sign3A_1051 : i32
      %rem3A_1053 = arith.remsi %add3A_1035, %jit3A_1036 : i32
      %ne3A_1054 = arith.constant 0 : i32
      %ne3A_1055 = arith.cmpi ne, %rem3A_1053, %ne3A_1054 : i32
      %and3A_1056 = arith.andi %ne3A_1052, %ne3A_1055 : i1
      %sub3A_1057 = arith.constant 1 : i32
      %sub3A_1058 = arith.subi %div3A_1037, %sub3A_1057 : i32
      %select_n3A_1059 = arith.select %and3A_1056, %sub3A_1058, %div3A_1037 : i32
      %rem3A_1060 = arith.constant 20 : i32
      %rem3A_1061 = arith.remsi %add3A_1035, %rem3A_1060 : i32
      %jit3A_1062 = arith.constant 8 : i32
      %div3A_1063 = arith.divsi %squeeze3A_1030, %jit3A_1062 : i32
      %sign3A_1064 = arith.constant 0 : i32
      %sign3A_1065 = arith.cmpi sgt, %squeeze3A_1030, %sign3A_1064 : i32
      %sign3A_1066 = arith.extui %sign3A_1065 : i1 to i32
      %sign3A_1067 = arith.constant 0 : i32
      %sign3A_1068 = arith.cmpi slt, %squeeze3A_1030, %sign3A_1067 : i32
      %sign3A_1069 = arith.extui %sign3A_1068 : i1 to i32
      %sign3A_1070 = arith.subi %sign3A_1066, %sign3A_1069 : i32
      %sign3A_1071 = arith.constant 0 : i32
      %sign3A_1072 = arith.cmpi sgt, %jit3A_1062, %sign3A_1071 : i32
      %sign3A_1073 = arith.extui %sign3A_1072 : i1 to i32
      %sign3A_1074 = arith.constant 0 : i32
      %sign3A_1075 = arith.cmpi slt, %jit3A_1062, %sign3A_1074 : i32
      %sign3A_1076 = arith.extui %sign3A_1075 : i1 to i32
      %sign3A_1077 = arith.subi %sign3A_1073, %sign3A_1076 : i32
      %ne3A_1078 = arith.cmpi ne, %sign3A_1070, %sign3A_1077 : i32
      %rem3A_1079 = arith.remsi %squeeze3A_1030, %jit3A_1062 : i32
      %ne3A_1080 = arith.constant 0 : i32
      %ne3A_1081 = arith.cmpi ne, %rem3A_1079, %ne3A_1080 : i32
      %and3A_1082 = arith.andi %ne3A_1078, %ne3A_1081 : i1
      %sub3A_1083 = arith.constant 1 : i32
      %sub3A_1084 = arith.subi %div3A_1063, %sub3A_1083 : i32
      %select_n3A_1085 = arith.select %and3A_1082, %sub3A_1084, %div3A_1063 : i32
      %mul3A_1086 = arith.constant 8 : i32
      %mul3A_1087 = arith.muli %select_n3A_1085, %mul3A_1086 : i32
      %rem3A_1088 = arith.constant 8 : i32
      %rem3A_1089 = arith.remsi %squeeze3A_1030, %rem3A_1088 : i32
      %dma_start3A_1090 = arith.constant 0 : i32
      %dma_start3A_1091 = arith.constant 0 : i32
      %dma_start3A_1092 = arith.constant 0 : i32
      %dma_start3A_1093 = tpu.memref_slice %arg7[%rem3A_1089, %dma_start3A_1090, %dma_start3A_1091, %dma_start3A_1092] : memref<8x1x1x8xf32, #tpu.memory_space<vmem>> -> memref<1x1x1x8xf32, #tpu.memory_space<vmem>>
      %dma_start3A_1094 = tpu.memref_squeeze %dma_start3A_1093 : memref<1x1x1x8xf32, #tpu.memory_space<vmem>> -> memref<1x1x8xf32, #tpu.memory_space<vmem>>
      %dma_start3A_1095 = tpu.memref_slice %arg4[%select_n3A_1059, %rem3A_1061, %mul3A_1087] : memref<4096x20x1000xf32, #tpu.memory_space<hbm>> -> memref<1x1x8xf32, #tpu.memory_space<hbm>>
      %dma_start3A_1096 = tpu.memref_slice %arg4[%select_n3A_1059, %rem3A_1061, %mul3A_1087] : memref<4096x20x1000xf32, #tpu.memory_space<hbm>> -> memref<1x1x8xf32, #tpu.memory_space<hbm>>
      %dma_start3A_1097 = arith.constant 0 : i32
      %dma_start3A_1098 = arith.constant 0 : i32
      %dma_start3A_1099 = arith.constant 0 : i32
      %dma_start3A_1100 = tpu.memref_slice %arg7[%rem3A_1089, %dma_start3A_1097, %dma_start3A_1098, %dma_start3A_1099] : memref<8x1x1x8xf32, #tpu.memory_space<vmem>> -> memref<1x1x1x8xf32, #tpu.memory_space<vmem>>
      %dma_start3A_1101 = tpu.memref_squeeze %dma_start3A_1100 : memref<1x1x1x8xf32, #tpu.memory_space<vmem>> -> memref<1x1x8xf32, #tpu.memory_space<vmem>>
      tpu.enqueue_dma source(%dma_start3A_1101 : memref<1x1x8xf32, #tpu.memory_space<vmem>>) target(%dma_start3A_1096 : memref<1x1x8xf32, #tpu.memory_space<hbm>>) target_semaphore(%arg8 : memref<!tpu.dma_semaphore, #tpu.memory_space<semaphore_mem>>)
      %slice3A_1102 = vector.extract_strided_slice %get3A_17 {offsets = [15], sizes = [1], strides = [1]} : vector<16xi32> to vector<1xi32>
      %squeeze3A_1103 = vector.extract %slice3A_1102[0] : i32 from vector<1xi32>
      %mul3A_1104 = arith.constant 16 : i32
      %mul3A_1105 = arith.muli %scan3A_14, %mul3A_1104 : i32
      %add3A_1106 = arith.addi %mul3A_2, %mul3A_1105 : i32
      %add3A_1107 = arith.constant 15 : i32
      %add3A_1108 = arith.addi %add3A_1106, %add3A_1107 : i32
      %jit3A_1109 = arith.constant 20 : i32
      %div3A_1110 = arith.divsi %add3A_1108, %jit3A_1109 : i32
      %sign3A_1111 = arith.constant 0 : i32
      %sign3A_1112 = arith.cmpi sgt, %add3A_1108, %sign3A_1111 : i32
      %sign3A_1113 = arith.extui %sign3A_1112 : i1 to i32
      %sign3A_1114 = arith.constant 0 : i32
      %sign3A_1115 = arith.cmpi slt, %add3A_1108, %sign3A_1114 : i32
      %sign3A_1116 = arith.extui %sign3A_1115 : i1 to i32
      %sign3A_1117 = arith.subi %sign3A_1113, %sign3A_1116 : i32
      %sign3A_1118 = arith.constant 0 : i32
      %sign3A_1119 = arith.cmpi sgt, %jit3A_1109, %sign3A_1118 : i32
      %sign3A_1120 = arith.extui %sign3A_1119 : i1 to i32
      %sign3A_1121 = arith.constant 0 : i32
      %sign3A_1122 = arith.cmpi slt, %jit3A_1109, %sign3A_1121 : i32
      %sign3A_1123 = arith.extui %sign3A_1122 : i1 to i32
      %sign3A_1124 = arith.subi %sign3A_1120, %sign3A_1123 : i32
      %ne3A_1125 = arith.cmpi ne, %sign3A_1117, %sign3A_1124 : i32
      %rem3A_1126 = arith.remsi %add3A_1108, %jit3A_1109 : i32
      %ne3A_1127 = arith.constant 0 : i32
      %ne3A_1128 = arith.cmpi ne, %rem3A_1126, %ne3A_1127 : i32
      %and3A_1129 = arith.andi %ne3A_1125, %ne3A_1128 : i1
      %sub3A_1130 = arith.constant 1 : i32
      %sub3A_1131 = arith.subi %div3A_1110, %sub3A_1130 : i32
      %select_n3A_1132 = arith.select %and3A_1129, %sub3A_1131, %div3A_1110 : i32
      %rem3A_1133 = arith.constant 20 : i32
      %rem3A_1134 = arith.remsi %add3A_1108, %rem3A_1133 : i32
      %jit3A_1135 = arith.constant 8 : i32
      %div3A_1136 = arith.divsi %squeeze3A_1103, %jit3A_1135 : i32
      %sign3A_1137 = arith.constant 0 : i32
      %sign3A_1138 = arith.cmpi sgt, %squeeze3A_1103, %sign3A_1137 : i32
      %sign3A_1139 = arith.extui %sign3A_1138 : i1 to i32
      %sign3A_1140 = arith.constant 0 : i32
      %sign3A_1141 = arith.cmpi slt, %squeeze3A_1103, %sign3A_1140 : i32
      %sign3A_1142 = arith.extui %sign3A_1141 : i1 to i32
      %sign3A_1143 = arith.subi %sign3A_1139, %sign3A_1142 : i32
      %sign3A_1144 = arith.constant 0 : i32
      %sign3A_1145 = arith.cmpi sgt, %jit3A_1135, %sign3A_1144 : i32
      %sign3A_1146 = arith.extui %sign3A_1145 : i1 to i32
      %sign3A_1147 = arith.constant 0 : i32
      %sign3A_1148 = arith.cmpi slt, %jit3A_1135, %sign3A_1147 : i32
      %sign3A_1149 = arith.extui %sign3A_1148 : i1 to i32
      %sign3A_1150 = arith.subi %sign3A_1146, %sign3A_1149 : i32
      %ne3A_1151 = arith.cmpi ne, %sign3A_1143, %sign3A_1150 : i32
      %rem3A_1152 = arith.remsi %squeeze3A_1103, %jit3A_1135 : i32
      %ne3A_1153 = arith.constant 0 : i32
      %ne3A_1154 = arith.cmpi ne, %rem3A_1152, %ne3A_1153 : i32
      %and3A_1155 = arith.andi %ne3A_1151, %ne3A_1154 : i1
      %sub3A_1156 = arith.constant 1 : i32
      %sub3A_1157 = arith.subi %div3A_1136, %sub3A_1156 : i32
      %select_n3A_1158 = arith.select %and3A_1155, %sub3A_1157, %div3A_1136 : i32
      %mul3A_1159 = arith.constant 8 : i32
      %mul3A_1160 = arith.muli %select_n3A_1158, %mul3A_1159 : i32
      %rem3A_1161 = arith.constant 8 : i32
      %rem3A_1162 = arith.remsi %squeeze3A_1103, %rem3A_1161 : i32
      %dma_start3A_1163 = arith.constant 0 : i32
      %dma_start3A_1164 = arith.constant 0 : i32
      %dma_start3A_1165 = arith.constant 0 : i32
      %dma_start3A_1166 = tpu.memref_slice %arg7[%rem3A_1162, %dma_start3A_1163, %dma_start3A_1164, %dma_start3A_1165] : memref<8x1x1x8xf32, #tpu.memory_space<vmem>> -> memref<1x1x1x8xf32, #tpu.memory_space<vmem>>
      %dma_start3A_1167 = tpu.memref_squeeze %dma_start3A_1166 : memref<1x1x1x8xf32, #tpu.memory_space<vmem>> -> memref<1x1x8xf32, #tpu.memory_space<vmem>>
      %dma_start3A_1168 = tpu.memref_slice %arg4[%select_n3A_1132, %rem3A_1134, %mul3A_1160] : memref<4096x20x1000xf32, #tpu.memory_space<hbm>> -> memref<1x1x8xf32, #tpu.memory_space<hbm>>
      %dma_start3A_1169 = tpu.memref_slice %arg4[%select_n3A_1132, %rem3A_1134, %mul3A_1160] : memref<4096x20x1000xf32, #tpu.memory_space<hbm>> -> memref<1x1x8xf32, #tpu.memory_space<hbm>>
      %dma_start3A_1170 = arith.constant 0 : i32
      %dma_start3A_1171 = arith.constant 0 : i32
      %dma_start3A_1172 = arith.constant 0 : i32
      %dma_start3A_1173 = tpu.memref_slice %arg7[%rem3A_1162, %dma_start3A_1170, %dma_start3A_1171, %dma_start3A_1172] : memref<8x1x1x8xf32, #tpu.memory_space<vmem>> -> memref<1x1x1x8xf32, #tpu.memory_space<vmem>>
      %dma_start3A_1174 = tpu.memref_squeeze %dma_start3A_1173 : memref<1x1x1x8xf32, #tpu.memory_space<vmem>> -> memref<1x1x8xf32, #tpu.memory_space<vmem>>
      tpu.enqueue_dma source(%dma_start3A_1174 : memref<1x1x8xf32, #tpu.memory_space<vmem>>) target(%dma_start3A_1169 : memref<1x1x8xf32, #tpu.memory_space<hbm>>) target_semaphore(%arg8 : memref<!tpu.dma_semaphore, #tpu.memory_space<semaphore_mem>>)
    }
    %scan3A_7 = arith.constant 160 : i32
    %scan3A_8 = arith.constant 0 : i32
    %scan3A_9 = arith.constant 0 : i32
    %scan3A_10 = arith.constant 2560 : i32
    %scan3A_11 = arith.addi %scan3A_9, %scan3A_10 : i32
    %scan3A_12 = arith.constant 1 : i32
    scf.for %scan3A_14 = %scan3A_9 to %scan3A_11 step %scan3A_12  : i32 {
      %jit3A = arith.constant 20 : i32
      %div3A = arith.divsi %mul3A_2, %jit3A : i32
      %sign3A = arith.constant 0 : i32
      %sign3A_15 = arith.cmpi sgt, %mul3A_2, %sign3A : i32
      %sign3A_16 = arith.extui %sign3A_15 : i1 to i32
      %sign3A_17 = arith.constant 0 : i32
      %sign3A_18 = arith.cmpi slt, %mul3A_2, %sign3A_17 : i32
      %sign3A_19 = arith.extui %sign3A_18 : i1 to i32
      %sign3A_20 = arith.subi %sign3A_16, %sign3A_19 : i32
      %sign3A_21 = arith.constant 0 : i32
      %sign3A_22 = arith.cmpi sgt, %jit3A, %sign3A_21 : i32
      %sign3A_23 = arith.extui %sign3A_22 : i1 to i32
      %sign3A_24 = arith.constant 0 : i32
      %sign3A_25 = arith.cmpi slt, %jit3A, %sign3A_24 : i32
      %sign3A_26 = arith.extui %sign3A_25 : i1 to i32
      %sign3A_27 = arith.subi %sign3A_23, %sign3A_26 : i32
      %ne3A = arith.cmpi ne, %sign3A_20, %sign3A_27 : i32
      %rem3A = arith.remsi %mul3A_2, %jit3A : i32
      %ne3A_28 = arith.constant 0 : i32
      %ne3A_29 = arith.cmpi ne, %rem3A, %ne3A_28 : i32
      %and3A = arith.andi %ne3A, %ne3A_29 : i1
      %sub3A = arith.constant 1 : i32
      %sub3A_30 = arith.subi %div3A, %sub3A : i32
      %select_n3A = arith.select %and3A, %sub3A_30, %div3A : i32
      %dma_wait3A = arith.constant 0 : i32
      %dma_wait3A_31 = arith.constant 0 : i32
      %dma_wait3A_32 = arith.constant 0 : i32
      %dma_wait3A_33 = arith.constant 0 : i32
      %dma_wait3A_34 = tpu.memref_slice %arg7[%dma_wait3A, %dma_wait3A_31, %dma_wait3A_32, %dma_wait3A_33] : memref<8x1x1x8xf32, #tpu.memory_space<vmem>> -> memref<1x1x1x8xf32, #tpu.memory_space<vmem>>
      %dma_wait3A_35 = tpu.memref_squeeze %dma_wait3A_34 : memref<1x1x1x8xf32, #tpu.memory_space<vmem>> -> memref<1x1x8xf32, #tpu.memory_space<vmem>>
      %dma_wait3A_36 = arith.constant 0 : i32
      %dma_wait3A_37 = arith.constant 0 : i32
      %dma_wait3A_38 = tpu.memref_slice %arg4[%select_n3A, %dma_wait3A_36, %dma_wait3A_37] : memref<4096x20x1000xf32, #tpu.memory_space<hbm>> -> memref<1x1x8xf32, #tpu.memory_space<hbm>>
      %dma_wait3A_39 = arith.constant 0 : i32
      %dma_wait3A_40 = arith.constant 0 : i32
      %dma_wait3A_41 = tpu.memref_slice %arg4[%select_n3A, %dma_wait3A_39, %dma_wait3A_40] : memref<4096x20x1000xf32, #tpu.memory_space<hbm>> -> memref<1x1x8xf32, #tpu.memory_space<hbm>>
      %dma_wait3A_42 = arith.constant 0 : i32
      %dma_wait3A_43 = arith.constant 0 : i32
      %dma_wait3A_44 = arith.constant 0 : i32
      %dma_wait3A_45 = tpu.memref_slice %arg7[%dma_wait3A, %dma_wait3A_42, %dma_wait3A_43, %dma_wait3A_44] : memref<8x1x1x8xf32, #tpu.memory_space<vmem>> -> memref<1x1x1x8xf32, #tpu.memory_space<vmem>>
      %dma_wait3A_46 = tpu.memref_squeeze %dma_wait3A_45 : memref<1x1x1x8xf32, #tpu.memory_space<vmem>> -> memref<1x1x8xf32, #tpu.memory_space<vmem>>
      tpu.wait_dma2 semaphore(%arg8 : memref<!tpu.dma_semaphore, #tpu.memory_space<semaphore_mem>>) src(%dma_wait3A_46 : memref<1x1x8xf32, #tpu.memory_space<vmem>>) dst(%dma_wait3A_41 : memref<1x1x8xf32, #tpu.memory_space<hbm>>)
    }
    %scan3A_13 = arith.constant 2560 : i32
    return
  }
}

module attributes {stable_mosaic.version = 14 : i64} {
  func.func @_fill_body(%arg0: i32, %arg1: memref<128x20x1000xf32, #tpu.memory_space<vmem>>) attributes {dimension_semantics = [#tpu.dimension_semantics<arbitrary>], iteration_bounds = array<i64: 32>, scalar_prefetch = 0 : i64, scratch_operands = 0 : i64, tpu.core_type = #tpu.core_type<tc>, window_params = [{transform_indices = @transform_0, window_bounds = array<i64: 128, 20, 1000>}]} {
    %broadcast_in_dim3A = arith.constant 0.000000e+00 : f32
    %broadcast_in_dim3A_0 = vector.broadcast %broadcast_in_dim3A : f32 to vector<128x20x1000xf32>
    %swap3A = arith.constant 0 : index
    %swap3A_1 = arith.constant 0 : index
    %swap3A_2 = arith.constant 0 : index
    %swap3A_3 = vector.load %arg1[%swap3A, %swap3A_1, %swap3A_2] : memref<128x20x1000xf32, #tpu.memory_space<vmem>>, vector<128x20x1000xf32>
    tpu.vector_store %arg1[%swap3A, %swap3A_1, %swap3A_2], %broadcast_in_dim3A_0 {strides = array<i32>} : memref<128x20x1000xf32, #tpu.memory_space<vmem>>, vector<128x20x1000xf32>,
    return
  }
  func.func @transform_0(%arg0: i32) -> (i32, i32, i32) {
    %c0_i32 = arith.constant 0 : i32
    %c0_i32_0 = arith.constant 0 : i32
    %c0_i32_1 = arith.constant 0 : i32
    return %arg0, %c0_i32, %c0_i32_0 : i32, i32, i32
  }
}

</mosaic_0001>

<sc_bundles>
// kernel: _.3.cloned.1.call-start
scs
__scs_entry_jumppad:
0x0: {  	(pc) =	sbr.rel $0x88, $3  }
0x1: {  	(tag) =	ssettag $0x0;
	lr =	simm.s32 $0x1  }
0x2: {  	[smem:$0x3FA0] =	sst lr;
	_ =	strace $0xD0000000  }
0x3: {  	_ = 	snop  }
0x4: {  	_ = 	snop  }
0x5: {  	_ = 	snop  }
0x6: {  	_ = 	snop  }
0x7: {  	_ = 	snop  }
__scs_overlays_trampoline_lowered:
0x8: {  	[smem:$0x3FAF] =	sst s0  }
0x9: {  	[smem:$0x3FB0] =	sst s1  }
0xa: {  	[smem:$0x3FB1] =	sst s2  }
0xb: {  	[smem:$0x3FB2] =	sst s3  }
0xc: {  	[smem:$0x3FB3] =	sst s4  }
0xd: {  	[smem:$0x3FB4] =	sst s5  }
0xe: {  	[smem:$0x3FB5] =	sst s6  }
0xf: {  	[smem:$0x3FB6] =	sst s7  }
0x10: {  	[smem:$0x3FB7] =	sst s8  }
0x11: {  	[smem:$0x3FB8] =	sst s9;
	s0 =	simm.s32 @!p0 $0x0  }
0x12: {  	s1 =	sld [smem:$0x3F9E];
	s0 =	simm.s32 @p0 $0x1  }
0x13: {  	[smem:$0x3FB9] =	sst s0;
	s0 =	simm.s32 @!p1 $0x0  }
0x14: {  	s2 =	sld [smem:$0x3F9D];
	s0 =	simm.s32 @p1 $0x1  }
0x15: {  	[smem:$0x3FBA] =	sst s0;
	s0 =	simm.s32 @!p2 $0x0  }
0x16: {  	s3 =	sld [smem:$0x3FDB];
	s0 =	simm.s32 @p2 $0x1  }
0x17: {  	s4 =	simm.s32 $0x1BF5;
	[smem:$0x3FBC] =	sst s0  }
0x18: {  	s0 =	sld [smem:$0x3F9F];
	_ =	swait.ge [sflag:s4], $0x0  }
0x19: {  	s7 =	sld [smem:$0x3FA0]  }
0x1a: {  	s8 =	sadd.s32 $0xFFFFE003, lr  }
0x1b: {  	s9 =	sadd.s32 $0xFFFFFEF7, lr;
	s5 =	simm.s32 $0xFFFFFFFF;
	p2 =	slt.u32 s8, $0xFFFFF086  }
0x1c: {  	p1 =	slt.u32 s9, $0xF7A;
	s5 =	simm.s32 @!p2 $0x0  }
0x1d: {  	s5 =	simm.s32 @p1 $0x1;
	p0 =	seq.s32 s7, s2  }
0x1e: {  	s7 =	smul.u32 @!p0 $0xF7A, s2;
	p2 =	seq.s32 @!p0 s5, $0x0  }
0x1f: {  	s9 =	smul.u32 $0xF7A, s1;
	s8 =	simm.s32 @!p0 $0x1BF5;
	p2 =	por !p2, p0  }
0x20: {  	[sflag:s8] =	ssyncset.s32 @!p0 $0xFFFFF086;
	s6 =	sadd.s32 @!p0 s3, s7;
	s7 =	simm.s32 @!p0 $0x108  }
0x21: {  	s3 =	sadd.s32 s3, s9;
	s6 =	sadd.s32 @!p0 $0x88, s6;
	s7 =	simm.s32 @p2 $0x1082  }
0x22: {  	[simem:s7], [sflag:s8] =	dma.local @!p0 [hbm:s6], $0xF7A  }
0x23: {  	s9 =	sor.u32 $0xD0000000, s2;
	s6 =	simm.s32 $0x108;
	_ =	swait.ge @!p0 [sflag:s8], $0x0  }
0x24: {  	s3 =	sadd.s32 $0x88, s3;
	s6 =	simm.s32 @!p1 $0x1082;
	[sflag:s4] =	ssyncset.s32 $0xFFFFF086  }
0x25: {  	[simem:s6], [sflag:s4] =	dma.local [hbm:s3], $0xF7A  }
0x26: {  	[smem:$0x3FA0] =	sst s1;
	(tag) =	ssettag s2;
	_ =	strace s9  }
0x27: {  	s1 =	sld [smem:$0x3FB0]  }
0x28: {  	s2 =	sld [smem:$0x3FB1]  }
0x29: {  	s4 =	sld [smem:$0x3FB3]  }
0x2a: {  	p0 =	seq.s32 s5, $0x0;
	s5 =	sld [smem:$0x3FB4]  }
0x2b: {  	s6 =	sld [smem:$0x3FB5]  }
0x2c: {  	s7 =	sld [smem:$0x3FB6]  }
0x2d: {  	s3 =	simm.s32 $0x108;
	s8 =	sld [smem:$0x3FB7]  }
0x2e: {  	s3 =	simm.s32 @!p0 $0x1082;
	s9 =	sld [smem:$0x3FB8]  }
0x2f: {  	lr =	sadd.s32 s0, s3;
	s0 =	sld [smem:$0x3FAF]  }
0x30: {  	s3 =	sld [smem:$0x3FB2]  }
0x31: {  	[smem:$0x3FBB] =	sst s10  }
0x32: {  	s10 =	sld [smem:$0x3FB9];
	_ =	sdelay $0x3  }
0x33: {  	p0 =	seq.s32 s10, $0x1;
	s10 =	sld [smem:$0x3FBB];
	_ =	sdelay $0x3  }
0x34: {  	[smem:$0x3FBB] =	sst s10  }
0x35: {  	s10 =	sld [smem:$0x3FBA];
	_ =	sdelay $0x3  }
0x36: {  	p1 =	seq.s32 s10, $0x1;
	s10 =	sld [smem:$0x3FBB];
	_ =	sdelay $0x3  }
0x37: {  	[smem:$0x3FBB] =	sst s10  }
0x38: {  	s10 =	sld [smem:$0x3FBC]  }
0x39: {  	_ = 	snop;
	(pc) =	sbr.ind lr, $3  }
0x3a: {  	_ = 	snop  }
0x3b: {  	_ = 	snop  }
0x3c: {  	p2 =	seq.s32 s10, $0x1;
	s10 =	sld [smem:$0x3FBB]  }
0x3d: {  	_ =	shalt  }
0x3e: {  	_ =	shalt  }
0x3f: {  	_ =	shalt  }
0x40: {  	_ =	shalt  }
0x41: {  	_ =	shalt  }
0x42: {  	_ =	shalt  }
0x43: {  	_ =	shalt  }
0x44: {  	_ =	shalt  }
0x45: {  	_ =	shalt  }
0x46: {  	_ =	shalt  }
0x47: {  	_ =	shalt  }
0x48: {  	_ =	shalt  }
0x49: {  	_ =	shalt  }
0x4a: {  	_ =	shalt  }
0x4b: {  	_ =	shalt  }
0x4c: {  	_ =	shalt  }
0x4d: {  	_ =	shalt  }
0x4e: {  	_ =	shalt  }
0x4f: {  	_ =	shalt  }
0x50: {  	_ =	shalt  }
0x51: {  	_ =	shalt  }
0x52: {  	_ =	shalt  }
0x53: {  	_ =	shalt  }
0x54: {  	_ =	shalt  }
0x55: {  	_ =	shalt  }
0x56: {  	_ =	shalt  }
0x57: {  	_ =	shalt  }
0x58: {  	_ =	shalt  }
0x59: {  	_ =	shalt  }
0x5a: {  	_ =	shalt  }
0x5b: {  	_ =	shalt  }
0x5c: {  	_ =	shalt  }
0x5d: {  	_ =	shalt  }
0x5e: {  	_ =	shalt  }
0x5f: {  	_ =	shalt  }
0x60: {  	_ =	shalt  }
0x61: {  	_ =	shalt  }
0x62: {  	_ =	shalt  }
0x63: {  	_ =	shalt  }
0x64: {  	_ =	shalt  }
0x65: {  	_ =	shalt  }
0x66: {  	_ =	shalt  }
0x67: {  	_ =	shalt  }
0x68: {  	_ =	shalt  }
0x69: {  	_ =	shalt  }
0x6a: {  	_ =	shalt  }
0x6b: {  	_ =	shalt  }
0x6c: {  	_ =	shalt  }
0x6d: {  	_ =	shalt  }
0x6e: {  	_ =	shalt  }
0x6f: {  	_ =	shalt  }
0x70: {  	_ =	shalt  }
0x71: {  	_ =	shalt  }
0x72: {  	_ =	shalt  }
0x73: {  	_ =	shalt  }
0x74: {  	_ =	shalt  }
0x75: {  	_ =	shalt  }
0x76: {  	_ =	shalt  }
0x77: {  	_ =	shalt  }
0x78: {  	_ =	shalt  }
0x79: {  	_ =	shalt  }
0x7a: {  	_ =	shalt  }
0x7b: {  	_ =	shalt  }
0x7c: {  	_ =	shalt  }
0x7d: {  	_ =	shalt  }
0x7e: {  	_ =	shalt  }
0x7f: {  	_ =	shalt  }
0x80: {  	_ =	shalt  }
0x81: {  	_ =	shalt  }
0x82: {  	_ =	shalt  }
0x83: {  	_ =	shalt  }
0x84: {  	_ =	shalt  }
0x85: {  	_ =	shalt  }
0x86: {  	_ =	shalt  }
0x87: {  	_ =	shalt  }
.Lfunc_end0:
.L_simem_size_0:
called_computation.1_lowered:
.L_overlay_start_0:
0x88: {  	s2 =	sld [smem:$0x3FD9]  }
0x89: {  	s3 =	sld [smem:$0x3FFE];
	_ =	sdelay $0x1  }
0x8a: {  	s1 =	srdreg.scid  }
0x8b: {  	s0 =	sand.u32 $0x1, s1  }
0x8c: {  	s17 =	sshll.u32 s0, $0xA;
	s2 =	sadd.s32 s3, s2  }
0x8d: {  	s2 =	sadd.s32 s2, s17  }
0x8e: {  	[smem:$0x3FC7] =	sst s2  }
0x8f: {  	_ = 	snop  }
0x90: {  	s2 =	sld [smem:$0x3FD0];
	(tm) =	ssettm $0x1  }
0x91: {  	s18 =	sld [smem:$0x3FFB];
	_ =	sdelay $0x3  }
0x92: {  	_ =	strace s18  }
0x93: {  	s3 =	sld [smem:$0x3FFC];
	_ =	sdelay $0x3  }
0x94: {  	_ =	strace s3  }
0x95: {  	s3 =	sld [smem:$0x3FFD];
	_ =	sdelay $0x3  }
0x96: {  	_ =	strace s3  }
0x97: {  	_ =	strace $0x8FFFFFFF  }
0x98: {  	s19 =	sld [smem:$0x3FDB];
	_ =	sdelay $0x1  }
0x99: {  	s4 =	simm.s32 $_scs_section_size  }
0x9a: {  	s5 =	simm.s32 $_size__tile_overlayer_lowered;
	s6 =	simm.s32 $_tile_overlayer_lowered  }
0x9b: {  	s22 =	simm.s32 $0x1BFF;
	s21 =	sshll.u32 s6, $0x1;
	s3 =	sadd.s32 s4, s19  }
0x9c: {  	s7 =	simm.s32 $0x0;
	s20 =	sshll.u32 s5, $0x1;
	s5 =	sadd.s32 s21, s3  }
0x9d: {  	[timem:s7], [sflag:s22] =	dma.local [hbm:s5], s20  }
0x9e: {  	_ =	swait.ge [sflag:s22], s20  }
0x9f: {  	s4 =	ssub.s32 $0x0, s20;
	[sflag:s22] =	ssyncset.done $0x0  }
0xa0: {  	[sflag:s22] =	ssyncadd.s32 s4;
	_ =	sdelay $0x1  }
0xa1: {  	s23 =	simm.s32 $0x1B8B  }
0xa2: {  	_ =	swait.ge [sflag:s23], $0x1  }
0xa3: {  	[sflag:s23] =	ssyncset.done $0x0  }
0xa4: {  	s25 =	simm.s32 $0x1B8E;
	s24 =	sld [smem:$0x3FFE];
	[sflag:s23] =	ssyncadd.s32 $0xFFFFFFFF  }
0xa5: {  	s26 =	simm.s32 $execute0_lowered;
	[smem:$0x3FD2] =	sst s25  }
0xa6: {  	s5 =	sshll.u32 s26, $0x1;
	_ =	strace $0x80000046;
	[dreg:$0x1] =	wrdreg $0xFFFFFFFF  }
0xa7: {  	s28 =	simm.s32 $_size_execute0_lowered;
	s3 =	sadd.s32 s3, s5;
	[dreg:$0x0] =	wrdreg $0x0  }
0xa8: {  	s5 =	sshll.u32 s28, $0x1;
	[dreg:$0x2] =	wrdreg s3  }
0xa9: {  	[dreg:$0x3] =	wrdreg s5  }
0xaa: {  	[dreg:$0x4] =	wrdreg $0xC0  }
0xab: {  	_ =	task [dreg:s7], $0x5FFFF  }
0xac: {  	[dreg:$0x1] =	wrdreg $0xFFFFFFFF  }
0xad: {  	[dreg:$0x0] =	wrdreg $0x60  }
0xae: {  	[dreg:$0x2] =	wrdreg s24  }
0xaf: {  	[dreg:$0x3] =	wrdreg s2  }
0xb0: {  	[dreg:$0x4] =	wrdreg $0x9  }
0xb1: {  	_ =	task.clear_ibuf [dreg:s7], $0x5FFFF;
	_ =	strace $0x90000046  }
0xb2: {  	s29 =	simm.s32 $0x9;
	_ =	strace $0x80000048  }
0xb3: {  	_ =	swait.ge [sflag:s29], $0x1  }
0xb4: {  	[sflag:s29] =	ssyncadd.s32 $0xFFFFFFFF  }
0xb5: {  	_ =	strace $0x90000048  }
0xb6: {  	_ =	sfence  }
0xb7: {  	s30 =	sld [smem:$0x0];
	_ =	sdelay $0x2  }
0xb8: {  	s31 =	sshll.u32 s1, $0xD;
	s1 =	sshrl.u32 s1, $0x2  }
0xb9: {  	s3 =	sand.u32 $0x4000, s31;
	s1 =	sadd.s32 s1, s30  }
0xba: {  	s0 =	sor.u32 s3, s0;
	s1 =	sshll.u32 s1, $0x11  }
0xbb: {  	s0 =	sor.u32 s1, s0  }
0xbc: {  	s0 =	sadd.s32 $0x8F2B, s0  }
0xbd: {  	[sflag:s0] =	ssyncadd.remote.s32 $0x1  }
0xbe: {  	_ =	sfence.sel $0xFFFF  }
0xbf: {  	[dreg:$0x0] =	wrdreg $0xFFFFFFFF;
	(pc) =	sbr.abs _section_cstart, $3  }
0xc0: {  	[dreg:$0x1] =	wrdreg $0xFFFFFFFF  }
0xc1: {  	_ =	task.clear_ibuf [dreg:s7], $0x2FFFF;
	_ =	strace $0x9FFFFFFF  }
0xc2: {  	(tm) =	ssettm $0x7FFFFFFF  }
0xc3: {  	_ =	shalt  }
tec
execute0_lowered:
.L_overlay_start_1:
0x0: {  	(tag) =	ssettag $0x1  }
0x1: {  	s1 =	srdreg.scid  }
0x2: {  	s0 =	stileid.u32;
	s4 =	rddreg [dreg:$0x0]  }
0x3: {  	s2 =	rddreg [dreg:$0x1];
	s3 =	simm.s32 $0x0;
	s7 =	smul.u32 $0x4E2000, s0  }
0x4: {  	s14 =	simm.s32 $0x2;
	s15 =	simm.s32 $0xA00;
	s9 =	smul.u32 $0x1400, s0  }
0x5: {  	s16 =	simm.s32 $0x1;
	s5 =	sand.u32 $0x1, s1;
	s13 =	smul.u32 $0x9C400, s0  }
0x6: {  	s17 =	simm.s32 $0x0;
	s29 =	sshll.u32 s0, $0x1;
	s8 =	smul.u32 $0x271000, s5  }
0x7: {  	s1 =	sor.u32 s5, s29;
	s10 =	ssub.s32 $0x2, s5;
	s30 =	smul.u32 $0x4E200, s5  }
0x8: {  	[smem:$0x7FF] =	sst s3;
	s6 =	smul.u32 $0xA00, s1;
	s12 =	sshrl.u32 s10, $0x1  }
0x9: {  	_ =	strace $0x80000047;
	s11 =	smul.u32 $0xA00, s5;
	s10 =	ssub.s32 s10, s12  }
0xa: {  	s7 =	sadd.s32 s8, s7;
	s8 =	sadd.s32 s30, s13;
	s6 =	sshrl.u32 s6, $0x3  }
0xb: {  	s7 =	sshrl.u32 s7, $0x3;
	[dreg:$0x4] =	wrdreg s8;
	s6 =	sadd.s32 s6, s4  }
0xc: {  	s4 =	sadd.s32 $0x3000, s4;
	s5 =	sadd.s32 $0x800, s6;
	s6 =	sadd.s32 s11, s9  }
0xd: {  	[dreg:$0x3] =	wrdreg s7;
	s7 =	smax.u32 s10, $0x1;
	s31 =	smul.u32 $0x3E8, s6  }
0xe: {  	s8 =	sor.u32 $0x3, s6;
	s10 =	sor.u32 $0x2, s6;
	s12 =	sor.u32 $0x1, s6  }
0xf: {  	s9 =	sor.u32 $0xBB8, s31;
	s11 =	sor.u32 $0x7D0, s31;
	s13 =	sor.u32 $0x3E8, s31  }
.LBB2_1:
0x10: {  	[tilespmem:s3], [sflag:$0x2] =	stream.linear.gather [hbm4b:s5+s3], $0xA00, $0x38;
	[tilespmem:$0xA40] =	vst v63  }
0x11: {  	_ =	swait.ge [sflag:s14], $0xA00  }
0x12: {  	s18 =	smov.u32 s12;
	[sflag:s14] =	ssyncset.done $0x0  }
0x13: {  	s19 =	smov.u32 s13;
	s20 =	smov.u32 s10;
	[sflag:s14] =	ssyncadd.s32 $0xFFFFF600  }
0x14: {  	[tilespmem:s15], [sflag:$0x2] =	stream.linear.gather [hbm4b:s4+s3], $0x40, $0x38;
	[tilespmem:$0xA40] =	vst v63  }
0x15: {  	s21 =	smov.u32 s11;
	s22 =	smov.u32 s8;
	_ =	swait.ge [sflag:s14], $0x40  }
0x16: {  	s23 =	smov.u32 s9;
	s24 =	smov.u32 s6;
	[sflag:s14] =	ssyncset.done $0x0  }
0x17: {  	s25 =	simm.s32 $0x0;
	s26 =	simm.s32 $0x0;
	[sflag:s14] =	ssyncadd.s32 $0xFFFFFFC0  }
.LBB2_2:
0x18: {  	v0 =	vld [tilespmem:s25+$0x0];
	_ =	sdelay $0x4  }
0x19: {  	(v2sf) =	vpush v0, $0x0;
	_ =	sdelay $0xd  }
0x1a: {  	(v2sf) =	vpush v0, $0x1  }
0x1b: {  	s28 =	spop (v2sf)  }
0x1c: {  	s29 =	sshra.s32 s28, $0x1F  }
0x1d: {  	s29 =	sshrl.u32 s29, $0x1D  }
0x1e: {  	s29 =	sadd.s32 s29, s28  }
0x1f: {  	s30 =	sand.u32 $0xFFFFFFF8, s29  }
0x20: {  	p0 =	slt.s32 s28, $0x1;
	p1 =	sne.s32 s28, s30  }
0x21: {  	p0 =	por !p0, !p1  }
0x22: {  	s1 =	simm.s32 $0x1;
	p0 =	por !p0, !p0  }
0x23: {  	s31 =	rddreg [dreg:$0x3];
	s29 =	sshrl.u32 s29, $0x3;
	s1 =	simm.s32 @!p0 $0x0  }
0x24: {  	s28 =	ssub.s32 s28, s30;
	s30 =	sadd.s32 s26, s31;
	s1 =	ssub.s32 s29, s1  }
0x25: {  	s28 =	sshll.u32 s28, $0x5;
	s1 =	sadd.s32 s1, s30  }
0x26: {  	s28 =	sshra.s32 s28, $0x2;
	s1 =	sand.u32 $0x1FFFFFFF, s1  }
0x27: {  	(v2sf) =	vpush v0, $0x2;
	s28 =	sadd.s32 $0xA00, s28;
	s1 =	sadd.s32 s2, s1  }
0x28: {  	[hbm4b:s1+s3] =	stream.linear.scatter [tilespmem:s28], [sflag:$0x1], $0x8, $0x38;
	[tilespmem:$0xA40] =	vst v63  }
0x29: {  	s1 =	smulhi.u32 $0xCCCCCCCD, s24;
	s28 =	spop (v2sf)  }
0x2a: {  	s31 =	smulhi.u32 $0xCCCCCCCD, s18;
	s0 =	sshra.s32 s28, $0x1F  }
0x2b: {  	s1 =	sshrl.u32 s1, $0x4;
	s30 =	sshrl.u32 s0, $0x1D  }
0x2c: {  	s29 =	sshrl.u32 s31, $0x4;
	s1 =	smul.u32 $0x4E20, s1;
	s30 =	sadd.s32 s30, s28  }
0x2d: {  	s29 =	smul.u32 $0x4E20, s29;
	s31 =	sand.u32 $0xFFFFFFF8, s30  }
0x2e: {  	p1 =	slt.s32 s28, $0x1;
	s0 =	sadd.s32 s1, s19;
	p2 =	sne.s32 s28, s31  }
0x2f: {  	s0 =	ssub.s32 s0, s29;
	s29 =	sshrl.u32 s30, $0x3;
	p0 =	por !p1, !p2  }
0x30: {  	(v2sf) =	vpush v0, $0x3;
	s30 =	simm.s32 $0x1;
	p0 =	por !p0, !p0;
	s0 =	sshrl.u32 s0, $0x3  }
0x31: {  	s28 =	ssub.s32 s28, s31;
	s0 =	sadd.s32 s0, s29;
	s30 =	simm.s32 @!p0 $0x0  }
0x32: {  	s28 =	sshll.u32 s28, $0x5;
	s0 =	ssub.s32 s0, s30  }
0x33: {  	s28 =	sshra.s32 s28, $0x2;
	s0 =	sand.u32 $0x1FFFFFFF, s0  }
0x34: {  	s28 =	sadd.s32 $0xA00, s28;
	s0 =	sadd.s32 s2, s0  }
0x35: {  	[hbm4b:s0+s3] =	stream.linear.scatter [tilespmem:s28], [sflag:$0x1], $0x8, $0x38;
	[tilespmem:$0xA40] =	vst v63  }
0x36: {  	s0 =	spop (v2sf)  }
0x37: {  	s31 =	smulhi.u32 $0xCCCCCCCD, s20;
	s30 =	sshra.s32 s0, $0x1F  }
0x38: {  	s29 =	sshrl.u32 s30, $0x1D  }
0x39: {  	s28 =	sshrl.u32 s31, $0x4;
	s29 =	sadd.s32 s29, s0  }
0x3a: {  	s28 =	smul.u32 $0x4E20, s28;
	s30 =	sand.u32 $0xFFFFFFF8, s29  }
0x3b: {  	s31 =	sadd.s32 s1, s21;
	p3 =	slt.s32 s0, $0x1;
	p4 =	sne.s32 s0, s30  }
0x3c: {  	s28 =	ssub.s32 s31, s28;
	s31 =	simm.s32 $0x1;
	p0 =	por !p3, !p4  }
0x3d: {  	s29 =	sshrl.u32 s29, $0x3;
	s28 =	sshrl.u32 s28, $0x3;
	p0 =	por !p0, !p0  }
0x3e: {  	s0 =	ssub.s32 s0, s30;
	s28 =	sadd.s32 s28, s29;
	s31 =	simm.s32 @!p0 $0x0  }
0x3f: {  	(v2sf) =	vpush v0, $0x4;
	s29 =	spop (v2sf);
	s0 =	sshll.u32 s0, $0x5;
	s28 =	ssub.s32 s28, s31  }
0x40: {  	s30 =	sshra.s32 s29, $0x1F;
	s0 =	sshra.s32 s0, $0x2;
	s28 =	sand.u32 $0x1FFFFFFF, s28  }
0x41: {  	s0 =	sadd.s32 $0xA00, s0;
	s31 =	smulhi.u32 $0xCCCCCCCD, s22;
	s28 =	sadd.s32 s2, s28  }
0x42: {  	[hbm4b:s28+s3] =	stream.linear.scatter [tilespmem:s0], [sflag:$0x1], $0x8, $0x38;
	[tilespmem:$0xA40] =	vst v63  }
0x43: {  	s28 =	sshrl.u32 s30, $0x1D  }
0x44: {  	s0 =	sshrl.u32 s31, $0x4;
	s28 =	sadd.s32 s28, s29  }
0x45: {  	s0 =	smul.u32 $0x4E20, s0;
	s30 =	sand.u32 $0xFFFFFFF8, s28  }
0x46: {  	s1 =	sadd.s32 s1, s23;
	p5 =	slt.s32 s29, $0x1;
	p6 =	sne.s32 s29, s30  }
0x47: {  	s31 =	sshrl.u32 s28, $0x3;
	s0 =	ssub.s32 s1, s0;
	p0 =	por !p5, !p6  }
0x48: {  	s28 =	simm.s32 $0x1;
	s0 =	sshrl.u32 s0, $0x3;
	p0 =	por !p0, !p0  }
0x49: {  	s29 =	ssub.s32 s29, s30;
	s0 =	sadd.s32 s0, s31;
	s28 =	simm.s32 @!p0 $0x0  }
0x4a: {  	s29 =	sshll.u32 s29, $0x5;
	s0 =	ssub.s32 s0, s28  }
0x4b: {  	s1 =	sshra.s32 s29, $0x2;
	s0 =	sand.u32 $0x1FFFFFFF, s0  }
0x4c: {  	s1 =	sadd.s32 $0xA00, s1;
	s0 =	sadd.s32 s2, s0  }
0x4d: {  	[hbm4b:s0+s3] =	stream.linear.scatter [tilespmem:s1], [sflag:$0x1], $0x8, $0x38;
	[tilespmem:$0xA40] =	vst v63  }
0x4e: {  	s0 =	spop (v2sf);
	(v2sf) =	vpush v0, $0x5  }
0x4f: {  	s30 =	sshra.s32 s0, $0x1F  }
0x50: {  	s1 =	sshrl.u32 s30, $0x1D  }
0x51: {  	s1 =	sadd.s32 s1, s0  }
0x52: {  	s29 =	sand.u32 $0xFFFFFFF8, s1  }
0x53: {  	p1 =	slt.s32 s0, $0x1;
	p2 =	sne.s32 s0, s29  }
0x54: {  	p0 =	por !p1, !p2  }
0x55: {  	s30 =	simm.s32 $0x1;
	p0 =	por !p0, !p0  }
0x56: {  	s31 =	rddreg [dreg:$0x4];
	s1 =	sshrl.u32 s1, $0x3;
	s30 =	simm.s32 @!p0 $0x0  }
0x57: {  	s28 =	sadd.s32 s26, s31;
	s1 =	ssub.s32 s1, s30  }
0x58: {  	s0 =	ssub.s32 s0, s29;
	s1 =	sadd.s32 s1, s28  }
0x59: {  	s0 =	sshll.u32 s0, $0x5;
	s1 =	sadd.s32 $0x1F4, s1  }
0x5a: {  	s0 =	sshra.s32 s0, $0x2;
	s1 =	sand.u32 $0x1FFFFFFF, s1  }
0x5b: {  	s0 =	sadd.s32 $0xA00, s0;
	s1 =	sadd.s32 s2, s1  }
0x5c: {  	[hbm4b:s1+s3] =	stream.linear.scatter [tilespmem:s0], [sflag:$0x1], $0x8, $0x38;
	[tilespmem:$0xA40] =	vst v63  }
0x5d: {  	s0 =	spop (v2sf);
	(v2sf) =	vpush v0, $0x6  }
0x5e: {  	s30 =	sshra.s32 s0, $0x1F  }
0x5f: {  	s1 =	sshrl.u32 s30, $0x1D  }
0x60: {  	s1 =	sadd.s32 s1, s0  }
0x61: {  	s31 =	sand.u32 $0xFFFFFFF8, s1  }
0x62: {  	p3 =	slt.s32 s0, $0x1;
	p4 =	sne.s32 s0, s31  }
0x63: {  	p0 =	por !p3, !p4  }
0x64: {  	s30 =	simm.s32 $0x1;
	p0 =	por !p0, !p0  }
0x65: {  	s1 =	sshrl.u32 s1, $0x3;
	s30 =	simm.s32 @!p0 $0x0  }
0x66: {  	s1 =	ssub.s32 s1, s30  }
0x67: {  	s0 =	ssub.s32 s0, s31;
	s1 =	sadd.s32 s1, s28  }
0x68: {  	s0 =	sshll.u32 s0, $0x5;
	s1 =	sadd.s32 $0x271, s1  }
0x69: {  	s0 =	sshra.s32 s0, $0x2;
	s1 =	sand.u32 $0x1FFFFFFF, s1  }
0x6a: {  	s0 =	sadd.s32 $0xA00, s0;
	s1 =	sadd.s32 s2, s1  }
0x6b: {  	[hbm4b:s1+s3] =	stream.linear.scatter [tilespmem:s0], [sflag:$0x1], $0x8, $0x38;
	[tilespmem:$0xA40] =	vst v63  }
0x6c: {  	s0 =	spop (v2sf);
	(v2sf) =	vpush v0, $0x7  }
0x6d: {  	s30 =	sshra.s32 s0, $0x1F  }
0x6e: {  	s1 =	sshrl.u32 s30, $0x1D  }
0x6f: {  	s1 =	sadd.s32 s1, s0  }
0x70: {  	s31 =	sand.u32 $0xFFFFFFF8, s1  }
0x71: {  	p5 =	slt.s32 s0, $0x1;
	p6 =	sne.s32 s0, s31  }
0x72: {  	p0 =	por !p5, !p6  }
0x73: {  	s30 =	simm.s32 $0x1;
	p0 =	por !p0, !p0  }
0x74: {  	s1 =	sshrl.u32 s1, $0x3;
	s30 =	simm.s32 @!p0 $0x0  }
0x75: {  	s1 =	ssub.s32 s1, s30  }
0x76: {  	s0 =	ssub.s32 s0, s31;
	s1 =	sadd.s32 s1, s28  }
0x77: {  	s0 =	sshll.u32 s0, $0x5;
	s1 =	sadd.s32 $0x2EE, s1  }
0x78: {  	s0 =	sshra.s32 s0, $0x2;
	s1 =	sand.u32 $0x1FFFFFFF, s1  }
0x79: {  	s0 =	sadd.s32 $0xA00, s0;
	s1 =	sadd.s32 s2, s1  }
0x7a: {  	[hbm4b:s1+s3] =	stream.linear.scatter [tilespmem:s0], [sflag:$0x1], $0x8, $0x38;
	[tilespmem:$0xA40] =	vst v63  }
0x7b: {  	s0 =	spop (v2sf);
	(v2sf) =	vpush v0, $0x8  }
0x7c: {  	s30 =	sshra.s32 s0, $0x1F  }
0x7d: {  	s1 =	sshrl.u32 s30, $0x1D  }
0x7e: {  	s1 =	sadd.s32 s1, s0  }
0x7f: {  	s31 =	sand.u32 $0xFFFFFFF8, s1  }
0x80: {  	p1 =	slt.s32 s0, $0x1;
	p2 =	sne.s32 s0, s31  }
0x81: {  	p0 =	por !p1, !p2  }
0x82: {  	s30 =	simm.s32 $0x1;
	p0 =	por !p0, !p0  }
0x83: {  	s1 =	sshrl.u32 s1, $0x3;
	s30 =	simm.s32 @!p0 $0x0  }
0x84: {  	s1 =	ssub.s32 s1, s30  }
0x85: {  	s0 =	ssub.s32 s0, s31;
	s1 =	sadd.s32 s1, s28  }
0x86: {  	s0 =	sshll.u32 s0, $0x5;
	s1 =	sadd.s32 $0x36B, s1  }
0x87: {  	s0 =	sshra.s32 s0, $0x2;
	s1 =	sand.u32 $0x1FFFFFFF, s1  }
0x88: {  	s0 =	sadd.s32 $0xA00, s0;
	s1 =	sadd.s32 s2, s1  }
0x89: {  	[hbm4b:s1+s3] =	stream.linear.scatter [tilespmem:s0], [sflag:$0x1], $0x8, $0x38;
	[tilespmem:$0xA40] =	vst v63  }
0x8a: {  	s0 =	spop (v2sf);
	(v2sf) =	vpush v0, $0x9  }
0x8b: {  	s30 =	sshra.s32 s0, $0x1F  }
0x8c: {  	s1 =	sshrl.u32 s30, $0x1D  }
0x8d: {  	s1 =	sadd.s32 s1, s0  }
0x8e: {  	s31 =	sand.u32 $0xFFFFFFF8, s1  }
0x8f: {  	p3 =	slt.s32 s0, $0x1;
	p4 =	sne.s32 s0, s31  }
0x90: {  	p0 =	por !p3, !p4  }
0x91: {  	s30 =	simm.s32 $0x1;
	p0 =	por !p0, !p0  }
0x92: {  	s1 =	sshrl.u32 s1, $0x3;
	s30 =	simm.s32 @!p0 $0x0  }
0x93: {  	s1 =	ssub.s32 s1, s30  }
0x94: {  	s0 =	ssub.s32 s0, s31;
	s1 =	sadd.s32 s1, s28  }
0x95: {  	s0 =	sshll.u32 s0, $0x5;
	s1 =	sadd.s32 $0x3E8, s1  }
0x96: {  	s0 =	sshra.s32 s0, $0x2;
	s1 =	sand.u32 $0x1FFFFFFF, s1  }
0x97: {  	s0 =	sadd.s32 $0xA00, s0;
	s1 =	sadd.s32 s2, s1  }
0x98: {  	[hbm4b:s1+s3] =	stream.linear.scatter [tilespmem:s0], [sflag:$0x1], $0x8, $0x38;
	[tilespmem:$0xA40] =	vst v63  }
0x99: {  	s0 =	spop (v2sf);
	(v2sf) =	vpush v0, $0xA  }
0x9a: {  	s30 =	sshra.s32 s0, $0x1F  }
0x9b: {  	s1 =	sshrl.u32 s30, $0x1D  }
0x9c: {  	s1 =	sadd.s32 s1, s0  }
0x9d: {  	s31 =	sand.u32 $0xFFFFFFF8, s1  }
0x9e: {  	p5 =	slt.s32 s0, $0x1;
	p6 =	sne.s32 s0, s31  }
0x9f: {  	p0 =	por !p5, !p6  }
0xa0: {  	s30 =	simm.s32 $0x1;
	p0 =	por !p0, !p0  }
0xa1: {  	s1 =	sshrl.u32 s1, $0x3;
	s30 =	simm.s32 @!p0 $0x0  }
0xa2: {  	s1 =	ssub.s32 s1, s30  }
0xa3: {  	s0 =	ssub.s32 s0, s31;
	s1 =	sadd.s32 s1, s28  }
0xa4: {  	s0 =	sshll.u32 s0, $0x5;
	s1 =	sadd.s32 $0x465, s1  }
0xa5: {  	s0 =	sshra.s32 s0, $0x2;
	s1 =	sand.u32 $0x1FFFFFFF, s1  }
0xa6: {  	s0 =	sadd.s32 $0xA00, s0;
	s1 =	sadd.s32 s2, s1  }
0xa7: {  	[hbm4b:s1+s3] =	stream.linear.scatter [tilespmem:s0], [sflag:$0x1], $0x8, $0x38;
	[tilespmem:$0xA40] =	vst v63  }
0xa8: {  	s0 =	spop (v2sf);
	(v2sf) =	vpush v0, $0xB  }
0xa9: {  	s30 =	sshra.s32 s0, $0x1F  }
0xaa: {  	s1 =	sshrl.u32 s30, $0x1D  }
0xab: {  	s1 =	sadd.s32 s1, s0  }
0xac: {  	s31 =	sand.u32 $0xFFFFFFF8, s1  }
0xad: {  	p1 =	slt.s32 s0, $0x1;
	p2 =	sne.s32 s0, s31  }
0xae: {  	p0 =	por !p1, !p2  }
0xaf: {  	s30 =	simm.s32 $0x1;
	p0 =	por !p0, !p0  }
0xb0: {  	s1 =	sshrl.u32 s1, $0x3;
	s30 =	simm.s32 @!p0 $0x0  }
0xb1: {  	s1 =	ssub.s32 s1, s30  }
0xb2: {  	s0 =	ssub.s32 s0, s31;
	s1 =	sadd.s32 s1, s28  }
0xb3: {  	s0 =	sshll.u32 s0, $0x5;
	s1 =	sadd.s32 $0x4E2, s1  }
0xb4: {  	s0 =	sshra.s32 s0, $0x2;
	s1 =	sand.u32 $0x1FFFFFFF, s1  }
0xb5: {  	s0 =	sadd.s32 $0xA00, s0;
	s1 =	sadd.s32 s2, s1  }
0xb6: {  	[hbm4b:s1+s3] =	stream.linear.scatter [tilespmem:s0], [sflag:$0x1], $0x8, $0x38;
	[tilespmem:$0xA40] =	vst v63  }
0xb7: {  	s0 =	spop (v2sf);
	(v2sf) =	vpush v0, $0xC  }
0xb8: {  	s30 =	sshra.s32 s0, $0x1F  }
0xb9: {  	s1 =	sshrl.u32 s30, $0x1D  }
0xba: {  	s1 =	sadd.s32 s1, s0  }
0xbb: {  	s31 =	sand.u32 $0xFFFFFFF8, s1  }
0xbc: {  	p3 =	slt.s32 s0, $0x1;
	p4 =	sne.s32 s0, s31  }
0xbd: {  	p0 =	por !p3, !p4  }
0xbe: {  	s30 =	simm.s32 $0x1;
	p0 =	por !p0, !p0  }
0xbf: {  	s1 =	sshrl.u32 s1, $0x3;
	s30 =	simm.s32 @!p0 $0x0  }
0xc0: {  	s1 =	ssub.s32 s1, s30  }
0xc1: {  	s0 =	ssub.s32 s0, s31;
	s1 =	sadd.s32 s1, s28  }
0xc2: {  	s0 =	sshll.u32 s0, $0x5;
	s1 =	sadd.s32 $0x55F, s1  }
0xc3: {  	s0 =	sshra.s32 s0, $0x2;
	s1 =	sand.u32 $0x1FFFFFFF, s1  }
0xc4: {  	s0 =	sadd.s32 $0xA00, s0;
	s1 =	sadd.s32 s2, s1  }
0xc5: {  	[hbm4b:s1+s3] =	stream.linear.scatter [tilespmem:s0], [sflag:$0x1], $0x8, $0x38;
	[tilespmem:$0xA40] =	vst v63  }
0xc6: {  	s0 =	spop (v2sf);
	(v2sf) =	vpush v0, $0xD  }
0xc7: {  	s30 =	sshra.s32 s0, $0x1F  }
0xc8: {  	s1 =	sshrl.u32 s30, $0x1D  }
0xc9: {  	s1 =	sadd.s32 s1, s0  }
0xca: {  	s31 =	sand.u32 $0xFFFFFFF8, s1  }
0xcb: {  	p5 =	slt.s32 s0, $0x1;
	p6 =	sne.s32 s0, s31  }
0xcc: {  	p0 =	por !p5, !p6  }
0xcd: {  	s30 =	simm.s32 $0x1;
	p0 =	por !p0, !p0  }
0xce: {  	s1 =	sshrl.u32 s1, $0x3;
	s30 =	simm.s32 @!p0 $0x0  }
0xcf: {  	s1 =	ssub.s32 s1, s30  }
0xd0: {  	s0 =	ssub.s32 s0, s31;
	s1 =	sadd.s32 s1, s28  }
0xd1: {  	s0 =	sshll.u32 s0, $0x5;
	s1 =	sadd.s32 $0x5DC, s1  }
0xd2: {  	s0 =	sshra.s32 s0, $0x2;
	s1 =	sand.u32 $0x1FFFFFFF, s1  }
0xd3: {  	s0 =	sadd.s32 $0xA00, s0;
	s1 =	sadd.s32 s2, s1  }
0xd4: {  	[hbm4b:s1+s3] =	stream.linear.scatter [tilespmem:s0], [sflag:$0x1], $0x8, $0x38;
	[tilespmem:$0xA40] =	vst v63  }
0xd5: {  	s0 =	spop (v2sf);
	(v2sf) =	vpush v0, $0xE  }
0xd6: {  	s30 =	sshra.s32 s0, $0x1F  }
0xd7: {  	s1 =	sshrl.u32 s30, $0x1D  }
0xd8: {  	s1 =	sadd.s32 s1, s0  }
0xd9: {  	s31 =	sand.u32 $0xFFFFFFF8, s1  }
0xda: {  	p1 =	slt.s32 s0, $0x1;
	p2 =	sne.s32 s0, s31  }
0xdb: {  	p0 =	por !p1, !p2  }
0xdc: {  	s30 =	simm.s32 $0x1;
	p0 =	por !p0, !p0  }
0xdd: {  	s1 =	sshrl.u32 s1, $0x3;
	s30 =	simm.s32 @!p0 $0x0  }
0xde: {  	s1 =	ssub.s32 s1, s30  }
0xdf: {  	s0 =	ssub.s32 s0, s31;
	s1 =	sadd.s32 s1, s28  }
0xe0: {  	s0 =	sshll.u32 s0, $0x5;
	s1 =	sadd.s32 $0x659, s1  }
0xe1: {  	s0 =	sshra.s32 s0, $0x2;
	s1 =	sand.u32 $0x1FFFFFFF, s1  }
0xe2: {  	s0 =	sadd.s32 $0xA00, s0;
	s1 =	sadd.s32 s2, s1  }
0xe3: {  	[hbm4b:s1+s3] =	stream.linear.scatter [tilespmem:s0], [sflag:$0x1], $0x8, $0x38;
	[tilespmem:$0xA40] =	vst v63  }
0xe4: {  	s0 =	spop (v2sf);
	(v2sf) =	vpush v0, $0xF  }
0xe5: {  	s30 =	sshra.s32 s0, $0x1F  }
0xe6: {  	s1 =	sshrl.u32 s30, $0x1D  }
0xe7: {  	s1 =	sadd.s32 s1, s0  }
0xe8: {  	s31 =	sand.u32 $0xFFFFFFF8, s1  }
0xe9: {  	p3 =	slt.s32 s0, $0x1;
	p4 =	sne.s32 s0, s31  }
0xea: {  	p0 =	por !p3, !p4  }
0xeb: {  	s30 =	simm.s32 $0x1;
	p0 =	por !p0, !p0  }
0xec: {  	s1 =	sshrl.u32 s1, $0x3;
	s30 =	simm.s32 @!p0 $0x0  }
0xed: {  	s1 =	ssub.s32 s1, s30  }
0xee: {  	s0 =	ssub.s32 s0, s31;
	s1 =	sadd.s32 s1, s28  }
0xef: {  	s0 =	sshll.u32 s0, $0x5;
	s1 =	sadd.s32 $0x6D6, s1  }
0xf0: {  	s0 =	sshra.s32 s0, $0x2;
	s1 =	sand.u32 $0x1FFFFFFF, s1  }
0xf1: {  	s0 =	sadd.s32 $0xA00, s0;
	s1 =	sadd.s32 s2, s1  }
0xf2: {  	[hbm4b:s1+s3] =	stream.linear.scatter [tilespmem:s0], [sflag:$0x1], $0x8, $0x38;
	[tilespmem:$0xA40] =	vst v63  }
0xf3: {  	s0 =	spop (v2sf)  }
0xf4: {  	s30 =	sshra.s32 s0, $0x1F  }
0xf5: {  	s1 =	sshrl.u32 s30, $0x1D  }
0xf6: {  	s1 =	sadd.s32 s1, s0  }
0xf7: {  	s31 =	sand.u32 $0xFFFFFFF8, s1  }
0xf8: {  	s25 =	sadd.s32 $0x10, s25;
	p5 =	slt.s32 s0, $0x1;
	p6 =	sne.s32 s0, s31  }
0xf9: {  	s18 =	sadd.s32 $0x10, s18;
	s24 =	sadd.s32 $0x10, s24;
	p0 =	por !p5, !p6  }
0xfa: {  	s20 =	sadd.s32 $0x10, s20;
	s30 =	simm.s32 $0x1;
	p0 =	por !p0, !p0  }
0xfb: {  	s19 =	sadd.s32 $0x3E80, s19;
	s1 =	sshrl.u32 s1, $0x3;
	s30 =	simm.s32 @!p0 $0x0  }
0xfc: {  	s23 =	sadd.s32 $0x3E80, s23;
	p0 =	sne.s32 s26, $0x4DA30;
	s1 =	ssub.s32 s1, s30  }
.Ltmp0:
0xfd: {  	s0 =	ssub.s32 s0, s31;
	s1 =	sadd.s32 s1, s28;
	(pc) =	sbr.rel @p0 .LBB2_2-.Ltmp0, $4  }
0xfe: {  	s21 =	sadd.s32 $0x3E80, s21;
	s0 =	sshll.u32 s0, $0x5;
	s1 =	sadd.s32 $0x753, s1  }
0xff: {  	s22 =	sadd.s32 $0x10, s22;
	s0 =	sshra.s32 s0, $0x2;
	s1 =	sand.u32 $0x1FFFFFFF, s1  }
0x100: {  	s0 =	sadd.s32 $0xA00, s0;
	s26 =	sadd.s32 $0x7D0, s26;
	s1 =	sadd.s32 s2, s1  }
0x101: {  	[hbm4b:s1+s3] =	stream.linear.scatter [tilespmem:s0], [sflag:$0x1], $0x8, $0x38;
	[tilespmem:$0xA40] =	vst v63  }
0x102: {  	_ =	swait.ge [sflag:s16], $0x8  }
0x103: {  	s18 =	simm.s32 $0x9FF;
	[sflag:s16] =	ssyncset.done $0x0  }
.LBB2_4:
0x104: {  	p0 =	sne.s32 s18, $0x1;
	s18 =	sadd.s32 $0xFFFFFFFF, s18;
	[sflag:s16] =	ssyncadd.s32 $0xFFFFFFF8  }
.Ltmp1:
0x105: {  	(pc) =	sbr.rel @p0 .LBB2_4-.Ltmp1, $3  }
0x106: {  	_ =	sdelay $0x1  }
0x107: {  	_ =	swait.ge [sflag:s16], $0x8  }
0x108: {  	[sflag:s16] =	ssyncset.done $0x0  }
0x109: {  	s17 =	sadd.s32 $0x1, s17  }
0x10a: {  	p0 =	sne.s32 s17, s7  }
.Ltmp2:
0x10b: {  	_ = 	snop;
	(pc) =	sbr.rel @p0 .LBB2_1-.Ltmp2, $2  }
0x10c: {  	_ =	sdelay $0x2  }
0x10d: {  	[sflag:s16] =	ssyncadd.s32 $0xFFFFFFF8  }
0x10e: {  	_ =	sfence.sel $0x180000  }
0x10f: {  	[bflag:$0x0] =	sbarrier.arrive $0xFFFF  }
0x110: {  	_ =	strace $0x90000047  }
0x111: {  	s0 =	stileid.u32;
	[bflag:$0x2] =	sbarrier.arrive $0xFFFF  }
0x112: {  	p0 =	sne.s32 s0, $0x0;
	s0 =	rddreg [dreg:$0x2]  }
0x113: {  	s0 =	sadd.s32 @!p0 $0x100000, s0  }
0x114: {  	[sflag:s0] =	ssyncadd.tile.s32 @!p0 $0x1;
	_ =	shalt  }
.Lfunc_end2:
_tile_overlayer_lowered:
.L_overlay_start_2:
0x115: {  	(tag) =	ssettag $0x2  }
0x116: {  	s0 =	rddreg [dreg:$0x0];
	s2 =	stileid.u32  }
0x117: {  	s1 =	rddreg [dreg:$0x1];
	p0 =	sne.s32 s2, $0x0  }
0x118: {  	s3 =	rddreg [dreg:$0x2];
	[bflag:$0x3] =	sbarrier.arrive $0xFFFF;
	s2 =	simm.s32 @!p0 $0x1C02  }
0x119: {  	[timem:s3], [sflag:s2] =	dma.local @!p0 [hbm:s0], s1  }
0x11a: {  	s0 =	simm.s32 @!p0 $0x2  }
0x11b: {  	_ =	swait.ge @!p0 [sflag:s0], s1  }
0x11c: {  	s1 =	ssub.s32 @!p0 $0x0, s1;
	[sflag:s0] =	ssyncset.done @!p0 $0x0  }
0x11d: {  	[sflag:s0] =	ssyncadd.s32 @!p0 s1  }
0x11e: {  	[bflag:$0x3] =	sbarrier.arrive $0xFFFF  }
0x11f: {  	_ =	shalt  }

// kernel: sparse-core-data-format-call.cloned.1.call-start
scs
called_computation_lowered:
.L_overlay_start_0:
0x0: {  	s2 =	sld [smem:$0x3FD9]  }
0x1: {  	s3 =	sld [smem:$0x3FFE];
	_ =	sdelay $0x1  }
0x2: {  	s1 =	srdreg.scid  }
0x3: {  	s0 =	sand.u32 $0x1, s1  }
0x4: {  	s18 =	sshll.u32 s0, $0xA;
	s2 =	sadd.s32 s3, s2  }
0x5: {  	s2 =	sadd.s32 s2, s18  }
0x6: {  	[smem:$0x3FC7] =	sst s2  }
0x7: {  	_ = 	snop  }
0x8: {  	s2 =	sld [smem:$0x3FD0];
	(tm) =	ssettm $0x1  }
0x9: {  	s19 =	sld [smem:$0x3FFB];
	_ =	sdelay $0x3  }
0xa: {  	_ =	strace s19  }
0xb: {  	s3 =	sld [smem:$0x3FFC];
	_ =	sdelay $0x3  }
0xc: {  	_ =	strace s3  }
0xd: {  	s3 =	sld [smem:$0x3FFD];
	_ =	sdelay $0x3  }
0xe: {  	_ =	strace s3  }
0xf: {  	_ =	strace $0x8FFFFFFF  }
0x10: {  	s20 =	sld [smem:$0x3FDB];
	_ =	sdelay $0x1  }
0x11: {  	s4 =	simm.s32 $_scs_section_size  }
0x12: {  	s5 =	simm.s32 $_size__tile_overlayer_lowered;
	s6 =	simm.s32 $_tile_overlayer_lowered  }
0x13: {  	s23 =	simm.s32 $0x1BFF;
	s22 =	sshll.u32 s6, $0x1;
	s3 =	sadd.s32 s4, s20  }
0x14: {  	s7 =	simm.s32 $0x0;
	s21 =	sshll.u32 s5, $0x1;
	s5 =	sadd.s32 s22, s3  }
0x15: {  	[timem:s7], [sflag:s23] =	dma.local [hbm:s5], s21  }
0x16: {  	_ =	swait.ge [sflag:s23], s21  }
0x17: {  	s4 =	ssub.s32 $0x0, s21;
	[sflag:s23] =	ssyncset.done $0x0  }
0x18: {  	[sflag:s23] =	ssyncadd.s32 s4;
	_ =	sdelay $0x1  }
0x19: {  	s24 =	simm.s32 $0x1B8B  }
0x1a: {  	_ =	swait.ge [sflag:s24], $0x1  }
0x1b: {  	[sflag:s24] =	ssyncset.done $0x0  }
0x1c: {  	s26 =	simm.s32 $0x1B8E;
	s25 =	sld [smem:$0x3FFE];
	[sflag:s24] =	ssyncadd.s32 $0xFFFFFFFF  }
0x1d: {  	s27 =	simm.s32 $execute0_lowered;
	[smem:$0x3FD2] =	sst s26  }
0x1e: {  	s5 =	sshll.u32 s27, $0x1;
	_ =	strace $0x80000049;
	[dreg:$0x1] =	wrdreg $0xFFFFFFFF  }
0x1f: {  	s28 =	simm.s32 $_size_execute0_lowered;
	s3 =	sadd.s32 s3, s5;
	[dreg:$0x0] =	wrdreg $0x0  }
0x20: {  	s5 =	sshll.u32 s28, $0x1;
	[dreg:$0x2] =	wrdreg s3  }
0x21: {  	[dreg:$0x3] =	wrdreg s5  }
0x22: {  	[dreg:$0x4] =	wrdreg $0xC0  }
0x23: {  	_ =	task [dreg:s7], $0x5FFFF  }
0x24: {  	[dreg:$0x1] =	wrdreg $0xFFFFFFFF  }
0x25: {  	[dreg:$0x0] =	wrdreg $0x60  }
0x26: {  	[dreg:$0x2] =	wrdreg s25  }
0x27: {  	[dreg:$0x3] =	wrdreg s2  }
0x28: {  	[dreg:$0x4] =	wrdreg $0x9  }
0x29: {  	_ =	task.clear_ibuf [dreg:s7], $0x5FFFF;
	_ =	strace $0x90000049  }
0x2a: {  	s29 =	simm.s32 $0x9;
	_ =	strace $0x8000004B  }
0x2b: {  	_ =	swait.ge [sflag:s29], $0x1  }
0x2c: {  	[sflag:s29] =	ssyncadd.s32 $0xFFFFFFFF  }
0x2d: {  	_ =	strace $0x9000004B  }
0x2e: {  	_ =	sfence  }
0x2f: {  	s30 =	sld [smem:$0x0];
	_ =	sdelay $0x2  }
0x30: {  	s31 =	sshll.u32 s1, $0xD;
	s1 =	sshrl.u32 s1, $0x2  }
0x31: {  	s3 =	sand.u32 $0x4000, s31;
	s1 =	sadd.s32 s1, s30  }
0x32: {  	s0 =	sor.u32 s3, s0;
	s1 =	sshll.u32 s1, $0x11  }
0x33: {  	s0 =	sor.u32 s1, s0  }
0x34: {  	s0 =	sadd.s32 $0x8F2B, s0  }
0x35: {  	[sflag:s0] =	ssyncadd.remote.s32 $0x1  }
0x36: {  	_ =	sfence.sel $0xFFFF  }
0x37: {  	[dreg:$0x0] =	wrdreg $0xFFFFFFFF;
	(pc) =	sbr.abs _section_cstart, $3  }
0x38: {  	[dreg:$0x1] =	wrdreg $0xFFFFFFFF  }
0x39: {  	_ =	task.clear_ibuf [dreg:s7], $0x2FFFF;
	_ =	strace $0x9FFFFFFF  }
0x3a: {  	(tm) =	ssettm $0x7FFFFFFF  }
0x3b: {  	_ =	shalt  }
tec
execute0_lowered:
.L_overlay_start_1:
0x0: {  	(tag) =	ssettag $0x1  }
0x1: {  	s0 =	srdreg.scid;
	s6 =	rddreg [dreg:$0x0]  }
0x2: {  	s3 =	rddreg [dreg:$0x1];
	s1 =	sshll.u32 s0, $0x4  }
0x3: {  	s5 =	simm.s32 $0x1;
	s0 =	stileid.u32;
	s1 =	sand.u32 $0x10, s1  }
0x4: {  	s31 =	simm.s32 $0x2;
	s16 =	simm.s32 $0x0;
	s1 =	sor.u32 s0, s1  }
0x5: {  	s8 =	simm.s32 $0x8000;
	s18 =	simm.s32 $0x0;
	s2 =	sshll.u32 s1, $0x7  }
0x6: {  	s17 =	simm.s32 $0x0;
	s9 =	simm.s32 $0x0;
	s4 =	ssub.s32 $0x1000, s2  }
0x7: {  	s10 =	simm.s32 $0x0;
	s11 =	simm.s32 $0x0;
	s30 =	sand.u32 $0xF80, s4  }
0x8: {  	s12 =	simm.s32 $0x0;
	s13 =	simm.s32 $0x0;
	p0 =	sne.s32 s30, $0x0  }
.Ltmp0:
0x9: {  	s7 =	sshrl.u32 s4, $0xC;
	s5 =	simm.s32 @!p0 $0x0;
	(pc) =	sbr.rel .LBB1_1-.Ltmp0, $4  }
0xa: {  	s15 =	simm.s32 $0x0;
	s1 =	rddreg [dreg:$0x2];
	s5 =	sadd.s32 s5, s7  }
0xb: {  	_ =	strace $0x8000004A;
	s4 =	simm.s32 $0x1;
	s5 =	smul.u32 $0xA0, s5  }
0xc: {  	s6 =	sadd.s32 $0x800, s6;
	s14 =	smov.u32 s2;
	[sflag:s4] =	ssyncpa.u1 $0x0  }
0xd: {  	[sflag:s31] =	ssyncpa.u1 $0x0;
	p0 =	por $0x0, $0x0;
	s7 =	sor.u32 $0x1, s5  }
.LBB1_4:
0xe: {  	s23 =	sshra.s32 s23, $0x2;
	s30 =	sshll.u32 s9, $0xC  }
0xf: {  	p1 =	sgt.s32 s10, $0x13;
	s24 =	smov.u32 s10;
	s25 =	sshra.s32 s10, $0x1F  }
0x10: {  	s26 =	sshll.u32 s11, $0x3;
	s28 =	smov.u32 s11;
	s29 =	sshra.s32 s11, $0x1F  }
0x11: {  	s22 =	sadd.s32 s23, s22;
	s24 =	simm.s32 @!p1 $0x13;
	s25 =	sand.u32 s25, s10  }
0x12: {  	s23 =	sand.u32 $0xFFFF8000, s30;
	s27 =	sand.u32 $0xFFFFFC00, s26;
	p1 =	sgt.s32 s9, $0x368  }
0x13: {  	s31 =	sand.u32 s29, s11;
	s29 =	sshll.u32 s9, $0x7;
	s30 =	sshra.s32 s9, $0x1F  }
0x14: {  	[tilespmem:s21+$0x2040 ss:$0x81] =	vst.msk $0xffff, v4;
	s24 =	ssub.s32 s24, s25;
	s23 =	sadd.s32 s27, s23;
	s27 =	smov.u32 s9  }
0x15: {  	[tilespmem:s21+$0x2850 ss:$0x81] =	vst.msk $0xffff, v3;
	s29 =	sand.u32 $0x380, s29;
	s25 =	sadd.s32 $0xFFFFFFED, s24;
	s27 =	simm.s32 @!p1 $0x368  }
0x16: {  	v5 =	vld [tilespmem:s20+$0xFFFFFFD0];
	[tilespmem:s21+$0x3060 ss:$0x81] =	vst.msk $0xffff, v2;
	p1 =	sgt.s32 s11, $0xF80;
	s23 =	sshrl.u32 s23, $0xC;
	s24 =	ssub.s32 $0x14, s24  }
0x17: {  	v58 =	vld [tilespmem:s20+$0xFFFFFFE0];
	[tilespmem:s21+$0x0 ss:$0x81] =	vst.msk $0xffff, v1;
	s28 =	simm.s32 @!p1 $0xF80;
	p1 =	sgt.s32 s25, $0x0;
	s21 =	smulhi.u32 $0x418938, s23  }
0x18: {  	v59 =	vld [tilespmem:s20+$0xFFFFFFF0];
	s25 =	ssub.s32 s28, s31;
	s28 =	sand.u32 s30, s9;
	s24 =	simm.s32 @p1 $0x0  }
0x19: {  	v60 =	vld [tilespmem:s20+$0x0];
	s27 =	ssub.s32 s27, s28;
	s31 =	sadd.s32 $0xFFFFF080, s25;
	s25 =	ssub.s32 $0x1000, s25  }
0x1a: {  	v61 =	vld [tilespmem:s20+$0x10];
	[tilespmem:s22+$0x3870 ss:$0x81] =	vst.msk $0xffff, v0;
	s21 =	smul.u32 $0x3E8, s21;
	s28 =	sand.u32 $0x7, s11;
	p1 =	sgt.s32 s31, $0x7F  }
0x1b: {  	v62 =	vld [tilespmem:s20+$0x20];
	[tilespmem:s22+$0x810 ss:$0x81] =	vst.msk $0xffff, v5;
	s30 =	sadd.s32 $0xFFFFFC98, s27;
	s31 =	sand.u32 $0x78, s11;
	s25 =	simm.s32 @p1 $0x0  }
0x1c: {  	v63 =	vld [tilespmem:s20+$0xFFFFFFC0];
	[tilespmem:s22+$0x1020 ss:$0x81] =	vst.msk $0xffff, v58;
	p1 =	sgt.s32 s30, $0x7F;
	s30 =	sand.u32 $0xC00, s26;
	s24 =	smul.u32 s25, s24  }
0x1d: {  	[tilespmem:s22+$0x1830 ss:$0x81] =	vst.msk $0xffff, v59;
	s26 =	ssub.s32 $0x3E8, s27;
	s20 =	sor.u32 s31, s30;
	s31 =	smul.u32 $0x7D000, s10  }
0x1e: {  	[tilespmem:s22+$0x2040 ss:$0x81] =	vst.msk $0xffff, v60;
	s21 =	ssub.s32 s23, s21;
	s26 =	simm.s32 @p1 $0x0;
	s20 =	sor.u32 s29, s20  }
0x1f: {  	[tilespmem:s22+$0x2850 ss:$0x81] =	vst.msk $0xffff, v61;
	s26 =	smul.u32 s26, s24;
	s20 =	sshrl.u32 s20, $0x3;
	s27 =	sadd.s32 s3, s31  }
0x20: {  	[tilespmem:s22+$0x3060 ss:$0x81] =	vst.msk $0xffff, v62;
	s21 =	sshll.u32 s21, $0x9;
	s29 =	sshll.u32 s28, $0x12;
	s20 =	sadd.s32 s20, s27  }
0x21: {  	[tilespmem:s22+$0x0 ss:$0x81] =	vst.msk $0xffff, v63;
	s31 =	sor.u32 $0x400, s29;
	s30 =	sand.u32 $0x3FFFFFFF, s26;
	s20 =	sadd.s32 s21, s20  }
0x22: {  	[hbm4b:s20+s31] =	stream.strided.scatter [tilespmem:s19], [sflag:$0x2], s30, s8, s31, $0x20;
	[tilespmem:$0x10100] =	vst v63  }
.LBB1_5:
0x23: {  	p1 =	slt.u32 s15, $0x2  }
0x24: {  	p2 =	sgt.s32 @!p1 s18, $0x13  }
0x25: {  	s19 =	smov.u32 s18;
	s20 =	sshra.s32 @!p1 s18, $0x1F;
	p2 =	por !p2, p1  }
0x26: {  	s18 =	sand.u32 @!p1 s20, s18;
	s19 =	simm.s32 @p2 $0x13  }
0x27: {  	p3 =	sgt.s32 @!p1 s16, $0x368;
	s18 =	ssub.s32 @!p1 s19, s18  }
0x28: {  	p4 =	sgt.s32 @!p1 s17, $0xF80;
	s21 =	sshra.s32 @!p1 s17, $0x1F;
	s19 =	sadd.s32 @!p1 $0xFFFFFFED, s18  }
0x29: {  	s20 =	smov.u32 s16;
	p2 =	sgt.s32 @!p1 s19, $0x0;
	s19 =	sshra.s32 @!p1 s16, $0x1F  }
0x2a: {  	p4 =	por !p4, p1;
	s16 =	sand.u32 @!p1 s19, s16;
	s19 =	smov.u32 s17  }
0x2b: {  	p3 =	por !p3, p1;
	s17 =	sand.u32 @!p1 s21, s17;
	s19 =	simm.s32 @p4 $0xF80  }
0x2c: {  	s20 =	simm.s32 @p3 $0x368;
	s18 =	ssub.s32 @!p1 $0x14, s18;
	s17 =	ssub.s32 @!p1 s19, s17  }
0x2d: {  	p2 =	por !p2, p1;
	s16 =	ssub.s32 @!p1 s20, s16;
	s20 =	sadd.s32 @!p1 $0xFFFFF080, s17  }
0x2e: {  	s18 =	simm.s32 @!p2 $0x0;
	p3 =	sgt.s32 @!p1 s20, $0x7F  }
0x2f: {  	s19 =	sadd.s32 @!p1 $0xFFFFFC98, s16;
	s17 =	ssub.s32 @!p1 $0x1000, s17;
	p3 =	por !p3, p1  }
0x30: {  	p2 =	sgt.s32 @!p1 s19, $0x7F;
	s19 =	sadd.s32 $0x80, s12;
	s17 =	simm.s32 @!p3 $0x0  }
0x31: {  	p3 =	sgt.s32 s19, $0x3E7;
	s17 =	smul.u32 @!p1 s17, s18;
	s18 =	simm.s32 $0x1  }
0x32: {  	s16 =	ssub.s32 @!p1 $0x3E8, s16;
	p2 =	por !p2, p1;
	s18 =	simm.s32 @!p3 $0x0  }
0x33: {  	s21 =	smov.u32 s14;
	s16 =	simm.s32 @!p2 $0x0;
	s20 =	sadd.s32 s18, s13  }
0x34: {  	s16 =	smul.u32 @!p1 s16, s17;
	s17 =	sadd.s32 $0x1000, s14;
	p2 =	sgt.s32 s20, $0x13  }
0x35: {  	p0 =	por !p0, !p0;
	s22 =	simm.s32 @!p1 $0x2;
	s21 =	smov.u32 @p2 s17  }
0x36: {  	s19 =	simm.s32 @p3 $0x0;
	s20 =	simm.s32 @p2 $0x0;
	p2 =	sgt.s32 s21, $0xFFF  }
0x37: {  	s18 =	smov.u32 s10;
	s21 =	smov.u32 @p2 s2;
	p2 =	sne.s32 s15, s7  }
.Ltmp1:
0x38: {  	s10 =	smov.u32 s13;
	s16 =	sand.u32 @!p1 $0x3FFFFFFF, s16;
	(pc) =	sbr.rel @!p2 .LBB1_6-.Ltmp1, $4  }
0x39: {  	s17 =	smov.u32 s11;
	s11 =	smov.u32 s14;
	_ =	swait.ge @!p1 [sflag:s22], s16  }
0x3a: {  	s23 =	ssub.s32 @!p1 $0x0, s16;
	s16 =	smov.u32 s9;
	s9 =	smov.u32 s12  }
0x3b: {  	s12 =	smov.u32 s19;
	s13 =	smov.u32 s20;
	[sflag:s22] =	ssyncset.done @!p1 $0x0  }
0x3c: {  	s15 =	sadd.s32 $0x1, s15;
	[sflag:s22] =	ssyncadd.s32 @!p1 s23;
	s14 =	smov.u32 s21  }
.LBB1_1:
0x3d: {  	p1 =	sge.u32 s15, s5  }
0x3e: {  	s19 =	sshll.u32 @!p1 s13, $0xA  }
0x3f: {  	s20 =	sshll.u32 @!p1 s12, $0x3;
	s19 =	sand.u32 @!p1 $0xFFFFE000, s19  }
0x40: {  	s19 =	sadd.s32 @!p1 s19, s20  }
0x41: {  	s19 =	sshrl.u32 @!p1 s19, $0xA  }
0x42: {  	s20 =	smulhi.u32 @!p1 $0xAAAAAAB, s19  }
0x43: {  	s21 =	sshll.u32 @!p1 s13, $0x7;
	s23 =	smul.u32 @!p1 $0xC00, s14  }
0x44: {  	s22 =	sand.u32 @!p1 $0x78, s12;
	s21 =	sand.u32 @!p1 $0x380, s21;
	s20 =	smul.u32 @!p1 $0x18, s20  }
0x45: {  	s31 =	sadd.s32 $0xFFFFFFFF, s15;
	s21 =	sor.u32 @!p1 s22, s21;
	s22 =	sadd.s32 @!p1 s6, s23  }
0x46: {  	s21 =	sshrl.u32 @!p1 s21, $0x3;
	s19 =	ssub.s32 @!p1 s19, s20;
	s20 =	sxor.u32 @!p1 $0xFFFFFFFF, s15  }
0x47: {  	s21 =	sadd.s32 @!p1 s21, s22;
	s22 =	sand.u32 @!p1 $0x7, s12;
	s20 =	sshll.u32 @!p1 s20, $0xE  }
0x48: {  	s22 =	sshll.u32 @!p1 s22, $0x12;
	s19 =	sshll.u32 @!p1 s19, $0x7;
	s20 =	sand.u32 @!p1 $0x4000, s20  }
0x49: {  	s19 =	sadd.s32 @!p1 s19, s21;
	s21 =	sor.u32 @!p1 $0x80, s22;
	s22 =	simm.s32 @!p1 $0x6000  }
0x4a: {  	[tilespmem:s20], [sflag:$0x1] =	stream.strided.gather @!p1 [hbm4b:s19+s21], $0x4000, s22, s21, $0x38;
	[tilespmem:$0x10100] =	vst v63  }
0x4b: {  	p1 =	sge.u32 s31, s5  }
.Ltmp2:
0x4c: {  	_ = 	snop;
	(pc) =	sbr.rel @p1 .LBB1_5-.Ltmp2, $1  }
0x4d: {  	_ =	sdelay $0x3  }
0x4e: {  	s19 =	simm.s32 $0x1  }
0x4f: {  	_ =	swait.ge [sflag:s4], $0x4000;
	s19 =	simm.s32 @!p0 $0x0  }
0x50: {  	[sflag:s4] =	ssyncset.done $0x0;
	s20 =	sshll.u32 s19, $0xE  }
0x51: {  	[sflag:s4] =	ssyncadd.s32 $0xFFFFC000;
	s20 =	sor.u32 $0x40, s20  }
0x52: {  	s19 =	smul.u32 $0x10200, s19;
	v0 =	vld [tilespmem:s20+$0x30]  }
0x53: {  	v1 =	vld [tilespmem:s20+$0xFFFFFFD0]  }
0x54: {  	s19 =	sshrl.u32 s19, $0x2;
	v5 =	vld [tilespmem:s20+$0xFFFFFFE0]  }
0x55: {  	v6 =	vld [tilespmem:s20+$0xFFFFFFF0];
	s22 =	sor.u32 $0x8000, s19  }
0x56: {  	s31 =	sand.u32 $0x1, s15;
	v4 =	vld [tilespmem:s20+$0x0];
	s21 =	sadd.s32 $0x0, s22  }
0x57: {  	v3 =	vld [tilespmem:s20+$0x10];
	s19 =	smul.u32 $0x10200, s31;
	[tilespmem:s21+$0x3870 ss:$0x81] =	vst.msk $0xffff, v0  }
0x58: {  	v2 =	vld [tilespmem:s20+$0x20];
	[tilespmem:s21+$0x810 ss:$0x81] =	vst.msk $0xffff, v1  }
0x59: {  	s19 =	sshrl.u32 s19, $0x2;
	v1 =	vld [tilespmem:s20+$0xFFFFFFC0];
	[tilespmem:s21+$0x1020 ss:$0x81] =	vst.msk $0xffff, v5;
	s20 =	sadd.s32 $0x80, s20  }
0x5a: {  	s23 =	simm.s32 $0x4;
	s24 =	simm.s32 $0x8;
	s19 =	sor.u32 $0x8000, s19;
	[tilespmem:s21+$0x1830 ss:$0x81] =	vst.msk $0xffff, v6;
	v0 =	vld [tilespmem:s20+$0x30]  }
.LBB1_3:
0x5b: {  	p1 =	sne.s32 s24, $0x1FC;
	v5 =	vld [tilespmem:s20+$0xFFFFFFD0];
	[tilespmem:s21+$0x2040 ss:$0x81] =	vst.msk $0xffff, v4  }
0x5c: {  	v6 =	vld [tilespmem:s20+$0xFFFFFFE0];
	[tilespmem:s21+$0x2850 ss:$0x81] =	vst.msk $0xffff, v3  }
0x5d: {  	s25 =	sshra.s32 s23, $0x2;
	s23 =	smov.u32 s24;
	v7 =	vld [tilespmem:s20+$0xFFFFFFF0];
	[tilespmem:s21+$0x3060 ss:$0x81] =	vst.msk $0xffff, v2  }
.Ltmp3:
0x5e: {  	v4 =	vld [tilespmem:s20+$0x0];
	[tilespmem:s21+$0x0 ss:$0x81] =	vst.msk $0xffff, v1;
	s21 =	sadd.s32 s25, s22;
	(pc) =	sbr.rel @p1 .LBB1_3-.Ltmp3, $4  }
0x5f: {  	v3 =	vld [tilespmem:s20+$0x10];
	[tilespmem:s21+$0x3870 ss:$0x81] =	vst.msk $0xffff, v0  }
0x60: {  	[tilespmem:s21+$0x810 ss:$0x81] =	vst.msk $0xffff, v5;
	v2 =	vld [tilespmem:s20+$0x20]  }
0x61: {  	v1 =	vld [tilespmem:s20+$0xFFFFFFC0];
	[tilespmem:s21+$0x1020 ss:$0x81] =	vst.msk $0xffff, v6;
	s20 =	sadd.s32 $0x80, s20  }
0x62: {  	s24 =	sadd.s32 $0x4, s24;
	v0 =	vld [tilespmem:s20+$0x30];
	[tilespmem:s21+$0x1830 ss:$0x81] =	vst.msk $0xffff, v7  }
.Ltmp4:
0x63: {  	_ = 	snop;
	(pc) =	sbr.rel .LBB1_4-.Ltmp4, $1  }
0x64: {  	_ =	sdelay $0x3  }
.LBB1_6:
0x65: {  	_ =	sfence.sel $0x180000  }
0x66: {  	s2 =	simm.s32 $0x1;
	[bflag:$0x0] =	sbarrier.arrive $0xFFFF  }
0x67: {  	s31 =	simm.s32 $0x2;
	[sflag:s2] =	ssyncpa.u1 $0x1  }
0x68: {  	[sflag:s31] =	ssyncpa.u1 $0x1  }
0x69: {  	p0 =	sne.s32 s0, $0x0;
	_ =	strace $0x9000004A  }
0x6a: {  	s0 =	sadd.s32 @!p0 $0x100000, s1;
	[bflag:$0x2] =	sbarrier.arrive $0xFFFF  }
0x6b: {  	[sflag:s0] =	ssyncadd.tile.s32 @!p0 $0x1;
	_ =	shalt  }
.Lfunc_end1:
_tile_overlayer_lowered:
.L_overlay_start_2:
0x6c: {  	(tag) =	ssettag $0x2  }
0x6d: {  	s0 =	rddreg [dreg:$0x0];
	s2 =	stileid.u32  }
0x6e: {  	s1 =	rddreg [dreg:$0x1];
	p0 =	sne.s32 s2, $0x0  }
0x6f: {  	s3 =	rddreg [dreg:$0x2];
	[bflag:$0x3] =	sbarrier.arrive $0xFFFF;
	s2 =	simm.s32 @!p0 $0x1C01  }
0x70: {  	[timem:s3], [sflag:s2] =	dma.local @!p0 [hbm:s0], s1  }
0x71: {  	s0 =	simm.s32 @!p0 $0x1  }
0x72: {  	_ =	swait.ge @!p0 [sflag:s0], s1  }
0x73: {  	s1 =	ssub.s32 @!p0 $0x0, s1;
	[sflag:s0] =	ssyncset.done @!p0 $0x0  }
0x74: {  	[sflag:s0] =	ssyncadd.s32 @!p0 s1  }
0x75: {  	[bflag:$0x3] =	sbarrier.arrive $0xFFFF  }
0x76: {  	_ =	shalt  }

</sc_bundles>
